<compile_context>
chip_gen: v7x
topology: tpu7x:2x2x1
jax: 0.10.2.dev20260603
libtpu: 0.0.44.dev20260713+nightly
codegen_flags: <defaults>
</compile_context>

<pallas_src>
import functools
import jax
import jax.numpy as jnp
from jax import lax
from jax.experimental import pallas as pl
from jax.experimental.pallas import tpu as pltpu
from jax.experimental.pallas import tpu_sc as plsc

_INFO = plsc.get_sparse_core_info()
_NC, _NS = _INFO.num_cores, _INFO.num_subcores
_NW = _NC * _NS

_BATCH = 16384
_EMB_DIM = 64
_B_PER_W = _BATCH // _NW


@functools.partial(
    pl.kernel,
    mesh=plsc.VectorSubcoreMesh(core_axis_name="c", subcore_axis_name="s"),
    out_type=jax.ShapeDtypeStruct((_BATCH, _EMB_DIM), jnp.float32),
    scratch_types=[
        pltpu.VMEM((_B_PER_W,), jnp.int32),
        pltpu.VMEM((_B_PER_W, _EMB_DIM), jnp.float32),
        pltpu.SemaphoreType.DMA,
        pltpu.SemaphoreType.DMA,
    ],
)
def _gather_kernel(idx_hbm, table_hbm, out_hbm, idx_v, rows_v, sem_i, sem_g):
    wid = lax.axis_index("s") * _NC + lax.axis_index("c")
    base = wid * _B_PER_W
    pltpu.async_copy(idx_hbm.at[pl.ds(base, _B_PER_W)], idx_v, sem_i).wait()

    @plsc.parallel_loop(0, _B_PER_W // 16, unroll=2)
    def fire(k):
        vec = idx_v[pl.ds(k * 16, 16)]
        for l in range(16):
            row = vec[l]
            pltpu.async_copy(
                table_hbm.at[pl.ds(row, 1)],
                rows_v.at[pl.ds(k * 16 + l, 1)],
                sem_g,
            )

    pltpu.make_async_copy(
        table_hbm.at[pl.ds(0, _B_PER_W)], rows_v, sem_g
    ).wait()
    pltpu.sync_copy(rows_v, out_hbm.at[pl.ds(base, _B_PER_W)])


def kernel(input, table):
    return _gather_kernel(input, table)

# --- scband reference (transcript-rebuilt; emitter-appended) ---
"""Pipeline reference for scband-embedding-initializer-47184510714052 (READ-ONLY COPY).

The authoritative reference and input builder live on the scoring server;
editing this copy changes nothing except your own understanding.
"""

import jax, jax.numpy as jnp
import numpy as np

NUM_EMBEDDINGS = 1000000
EMB_DIM = 64  # min(max_emb_dim=64, num_embeddings)
BATCH = 16384


def setup_inputs(seed: int = 0) -> dict:
    key = jax.random.key(seed)
    k_idx, k_tbl = jax.random.split(key)
    # indices into the embedding table; row 0 is reserved for padding,
    # valid data indices are in [0, NUM_EMBEDDINGS)
    inp = jax.random.randint(k_idx, (BATCH,), 0, NUM_EMBEDDINGS, dtype=jnp.int32)
    # nn.Embedding weight ~ N(0,1), clamped to [-2, 2], padding row (0) zeroed
    table = jax.random.normal(k_tbl, (NUM_EMBEDDINGS + 1, EMB_DIM), dtype=jnp.float32)
    table = jnp.clip(table, -2.0, 2.0)
    table = table.at[0].set(0.0)
    return {"input": inp, "table": table}


def reference(input, table):
    # forward (eval mode):
    #   drop_whole_embeddings=False and not training -> no input masking
    #   out = embed(input)            -> gather rows from table
    #   dropout in eval mode          -> identity
    #   reshape_out = nn.Identity()   -> identity (out_dim is None)
    #   shared_embedding=False        -> no shared-embedding overwrite/add
    out = jnp.take(table, input, axis=0)
    return out

if __name__ == "__main__":
    import jax
    _d = setup_inputs()
    print(jax.jit(kernel)(*tuple(_d.values())))

</pallas_src>

<mosaic_0001>
#map = affine_map<(d0, d1) -> (0)>
#map1 = affine_map<(d0, d1) -> (0, 0)>
module attributes {stable_mosaic.version = 14 : i64} {
  func.func @_gather_kernel(%arg0: i32, %arg1: i32, %arg2: memref<16384xi32, #tpu.memory_space<hbm>>, %arg3: memref<1000001x64xf32, #tpu.memory_space<hbm>>, %arg4: memref<16384x64xf32, #tpu.memory_space<hbm>>, %arg5: memref<512xi32, #tpu.memory_space<vmem>>, %arg6: memref<512x64xf32, #tpu.memory_space<vmem>>, %arg7: memref<!tpu.dma_semaphore, #tpu.memory_space<semaphore_mem>>, %arg8: memref<!tpu.dma_semaphore, #tpu.memory_space<semaphore_mem>>) attributes {dimension_semantics = [#tpu.dimension_semantics<core_parallel>, #tpu.dimension_semantics<subcore_parallel>], iteration_bounds = array<i64: 2, 16>, scalar_prefetch = 0 : i64, scratch_operands = 4 : i64, tpu.core_type = #tpu.core_type<sc_vector_subcore>, window_params = [{transform_indices = #map}, {transform_indices = #map1}, {transform_indices = #map1}]} {
    %mul3A = arith.constant 2 : i32
    %mul3A_0 = arith.muli %arg1, %mul3A : i32
    %add3A = arith.addi %mul3A_0, %arg0 : i32
    %mul3A_1 = arith.constant 512 : i32
    %mul3A_2 = arith.muli %add3A, %mul3A_1 : i32
    %dma_start3A = tpu.memref_slice %arg2[%mul3A_2] : memref<16384xi32, #tpu.memory_space<hbm>> -> memref<512xi32, #tpu.memory_space<hbm>>
    %dma_start3A_3 = tpu.memref_slice %arg2[%mul3A_2] : memref<16384xi32, #tpu.memory_space<hbm>> -> memref<512xi32, #tpu.memory_space<hbm>>
    tpu.enqueue_dma source(%dma_start3A_3 : memref<512xi32, #tpu.memory_space<hbm>>) target(%arg5 : memref<512xi32, #tpu.memory_space<vmem>>) target_semaphore(%arg7 : memref<!tpu.dma_semaphore, #tpu.memory_space<semaphore_mem>>)
    %dma_wait3A = tpu.memref_slice %arg2[%mul3A_2] : memref<16384xi32, #tpu.memory_space<hbm>> -> memref<512xi32, #tpu.memory_space<hbm>>
    %dma_wait3A_4 = tpu.memref_slice %arg2[%mul3A_2] : memref<16384xi32, #tpu.memory_space<hbm>> -> memref<512xi32, #tpu.memory_space<hbm>>
    tpu.wait_dma2 semaphore(%arg7 : memref<!tpu.dma_semaphore, #tpu.memory_space<semaphore_mem>>) src(%dma_wait3A_4 : memref<512xi32, #tpu.memory_space<hbm>>) dst(%arg5 : memref<512xi32, #tpu.memory_space<vmem>>)
    %parallel_loop3A = arith.constant 0 : i32
    %parallel_loop3A_5 = arith.constant 32 : i32
    %parallel_loop3A_6 = arith.constant 1 : i32
    scf.for %parallel_loop3A_13 = %parallel_loop3A to %parallel_loop3A_5 step %parallel_loop3A_6  : i32 {
      %parallel_loop3A_14 = arith.constant 16 : i32
      %parallel_loop3A_15 = arith.muli %parallel_loop3A_13, %parallel_loop3A_14 : i32
      %parallel_loop3A_16 = arith.index_cast %parallel_loop3A_15 : i32 to index
      %parallel_loop3A_17 = tpu.vector_load %arg5[%parallel_loop3A_16] {strides = array<i32>} : memref<512xi32, #tpu.memory_space<vmem>>, vector<16xi32>,
      %parallel_loop3A_18 = vector.shape_cast %parallel_loop3A_17 : vector<16xi32> to vector<16xi32>
      %parallel_loop3A_19 = vector.extract_strided_slice %parallel_loop3A_18 {offsets = [0], sizes = [1], strides = [1]} : vector<16xi32> to vector<1xi32>
      %parallel_loop3A_20 = vector.extract %parallel_loop3A_19[0] : i32 from vector<1xi32>
      %parallel_loop3A_21 = arith.constant 16 : i32
      %parallel_loop3A_22 = arith.muli %parallel_loop3A_13, %parallel_loop3A_21 : i32
      %parallel_loop3A_23 = arith.constant 0 : i32
      %parallel_loop3A_24 = arith.addi %parallel_loop3A_22, %parallel_loop3A_23 : i32
      %parallel_loop3A_25 = arith.constant 0 : i32
      %parallel_loop3A_26 = tpu.memref_slice %arg6[%parallel_loop3A_24, %parallel_loop3A_25] : memref<512x64xf32, #tpu.memory_space<vmem>> -> memref<1x64xf32, #tpu.memory_space<vmem>>
      %parallel_loop3A_27 = arith.constant 0 : i32
      %parallel_loop3A_28 = tpu.memref_slice %arg3[%parallel_loop3A_20, %parallel_loop3A_27] : memref<1000001x64xf32, #tpu.memory_space<hbm>> -> memref<1x64xf32, #tpu.memory_space<hbm>>
      %parallel_loop3A_29 = arith.constant 0 : i32
      %parallel_loop3A_30 = tpu.memref_slice %arg6[%parallel_loop3A_24, %parallel_loop3A_29] : memref<512x64xf32, #tpu.memory_space<vmem>> -> memref<1x64xf32, #tpu.memory_space<vmem>>
      %parallel_loop3A_31 = arith.constant 0 : i32
      %parallel_loop3A_32 = tpu.memref_slice %arg3[%parallel_loop3A_20, %parallel_loop3A_31] : memref<1000001x64xf32, #tpu.memory_space<hbm>> -> memref<1x64xf32, #tpu.memory_space<hbm>>
      tpu.enqueue_dma source(%parallel_loop3A_32 : memref<1x64xf32, #tpu.memory_space<hbm>>) target(%parallel_loop3A_30 : memref<1x64xf32, #tpu.memory_space<vmem>>) target_semaphore(%arg8 : memref<!tpu.dma_semaphore, #tpu.memory_space<semaphore_mem>>)
      %parallel_loop3A_33 = vector.extract_strided_slice %parallel_loop3A_18 {offsets = [1], sizes = [1], strides = [1]} : vector<16xi32> to vector<1xi32>
      %parallel_loop3A_34 = vector.extract %parallel_loop3A_33[0] : i32 from vector<1xi32>
      %parallel_loop3A_35 = arith.constant 16 : i32
      %parallel_loop3A_36 = arith.muli %parallel_loop3A_13, %parallel_loop3A_35 : i32
      %parallel_loop3A_37 = arith.constant 1 : i32
      %parallel_loop3A_38 = arith.addi %parallel_loop3A_36, %parallel_loop3A_37 : i32
      %parallel_loop3A_39 = arith.constant 0 : i32
      %parallel_loop3A_40 = tpu.memref_slice %arg6[%parallel_loop3A_38, %parallel_loop3A_39] : memref<512x64xf32, #tpu.memory_space<vmem>> -> memref<1x64xf32, #tpu.memory_space<vmem>>
      %parallel_loop3A_41 = arith.constant 0 : i32
      %parallel_loop3A_42 = tpu.memref_slice %arg3[%parallel_loop3A_34, %parallel_loop3A_41] : memref<1000001x64xf32, #tpu.memory_space<hbm>> -> memref<1x64xf32, #tpu.memory_space<hbm>>
      %parallel_loop3A_43 = arith.constant 0 : i32
      %parallel_loop3A_44 = tpu.memref_slice %arg6[%parallel_loop3A_38, %parallel_loop3A_43] : memref<512x64xf32, #tpu.memory_space<vmem>> -> memref<1x64xf32, #tpu.memory_space<vmem>>
      %parallel_loop3A_45 = arith.constant 0 : i32
      %parallel_loop3A_46 = tpu.memref_slice %arg3[%parallel_loop3A_34, %parallel_loop3A_45] : memref<1000001x64xf32, #tpu.memory_space<hbm>> -> memref<1x64xf32, #tpu.memory_space<hbm>>
      tpu.enqueue_dma source(%parallel_loop3A_46 : memref<1x64xf32, #tpu.memory_space<hbm>>) target(%parallel_loop3A_44 : memref<1x64xf32, #tpu.memory_space<vmem>>) target_semaphore(%arg8 : memref<!tpu.dma_semaphore, #tpu.memory_space<semaphore_mem>>)
      %parallel_loop3A_47 = vector.extract_strided_slice %parallel_loop3A_18 {offsets = [2], sizes = [1], strides = [1]} : vector<16xi32> to vector<1xi32>
      %parallel_loop3A_48 = vector.extract %parallel_loop3A_47[0] : i32 from vector<1xi32>
      %parallel_loop3A_49 = arith.constant 16 : i32
      %parallel_loop3A_50 = arith.muli %parallel_loop3A_13, %parallel_loop3A_49 : i32
      %parallel_loop3A_51 = arith.constant 2 : i32
      %parallel_loop3A_52 = arith.addi %parallel_loop3A_50, %parallel_loop3A_51 : i32
      %parallel_loop3A_53 = arith.constant 0 : i32
      %parallel_loop3A_54 = tpu.memref_slice %arg6[%parallel_loop3A_52, %parallel_loop3A_53] : memref<512x64xf32, #tpu.memory_space<vmem>> -> memref<1x64xf32, #tpu.memory_space<vmem>>
      %parallel_loop3A_55 = arith.constant 0 : i32
      %parallel_loop3A_56 = tpu.memref_slice %arg3[%parallel_loop3A_48, %parallel_loop3A_55] : memref<1000001x64xf32, #tpu.memory_space<hbm>> -> memref<1x64xf32, #tpu.memory_space<hbm>>
      %parallel_loop3A_57 = arith.constant 0 : i32
      %parallel_loop3A_58 = tpu.memref_slice %arg6[%parallel_loop3A_52, %parallel_loop3A_57] : memref<512x64xf32, #tpu.memory_space<vmem>> -> memref<1x64xf32, #tpu.memory_space<vmem>>
      %parallel_loop3A_59 = arith.constant 0 : i32
      %parallel_loop3A_60 = tpu.memref_slice %arg3[%parallel_loop3A_48, %parallel_loop3A_59] : memref<1000001x64xf32, #tpu.memory_space<hbm>> -> memref<1x64xf32, #tpu.memory_space<hbm>>
      tpu.enqueue_dma source(%parallel_loop3A_60 : memref<1x64xf32, #tpu.memory_space<hbm>>) target(%parallel_loop3A_58 : memref<1x64xf32, #tpu.memory_space<vmem>>) target_semaphore(%arg8 : memref<!tpu.dma_semaphore, #tpu.memory_space<semaphore_mem>>)
      %parallel_loop3A_61 = vector.extract_strided_slice %parallel_loop3A_18 {offsets = [3], sizes = [1], strides = [1]} : vector<16xi32> to vector<1xi32>
      %parallel_loop3A_62 = vector.extract %parallel_loop3A_61[0] : i32 from vector<1xi32>
      %parallel_loop3A_63 = arith.constant 16 : i32
      %parallel_loop3A_64 = arith.muli %parallel_loop3A_13, %parallel_loop3A_63 : i32
      %parallel_loop3A_65 = arith.constant 3 : i32
      %parallel_loop3A_66 = arith.addi %parallel_loop3A_64, %parallel_loop3A_65 : i32
      %parallel_loop3A_67 = arith.constant 0 : i32
      %parallel_loop3A_68 = tpu.memref_slice %arg6[%parallel_loop3A_66, %parallel_loop3A_67] : memref<512x64xf32, #tpu.memory_space<vmem>> -> memref<1x64xf32, #tpu.memory_space<vmem>>
      %parallel_loop3A_69 = arith.constant 0 : i32
      %parallel_loop3A_70 = tpu.memref_slice %arg3[%parallel_loop3A_62, %parallel_loop3A_69] : memref<1000001x64xf32, #tpu.memory_space<hbm>> -> memref<1x64xf32, #tpu.memory_space<hbm>>
      %parallel_loop3A_71 = arith.constant 0 : i32
      %parallel_loop3A_72 = tpu.memref_slice %arg6[%parallel_loop3A_66, %parallel_loop3A_71] : memref<512x64xf32, #tpu.memory_space<vmem>> -> memref<1x64xf32, #tpu.memory_space<vmem>>
      %parallel_loop3A_73 = arith.constant 0 : i32
      %parallel_loop3A_74 = tpu.memref_slice %arg3[%parallel_loop3A_62, %parallel_loop3A_73] : memref<1000001x64xf32, #tpu.memory_space<hbm>> -> memref<1x64xf32, #tpu.memory_space<hbm>>
      tpu.enqueue_dma source(%parallel_loop3A_74 : memref<1x64xf32, #tpu.memory_space<hbm>>) target(%parallel_loop3A_72 : memref<1x64xf32, #tpu.memory_space<vmem>>) target_semaphore(%arg8 : memref<!tpu.dma_semaphore, #tpu.memory_space<semaphore_mem>>)
      %parallel_loop3A_75 = vector.extract_strided_slice %parallel_loop3A_18 {offsets = [4], sizes = [1], strides = [1]} : vector<16xi32> to vector<1xi32>
      %parallel_loop3A_76 = vector.extract %parallel_loop3A_75[0] : i32 from vector<1xi32>
      %parallel_loop3A_77 = arith.constant 16 : i32
      %parallel_loop3A_78 = arith.muli %parallel_loop3A_13, %parallel_loop3A_77 : i32
      %parallel_loop3A_79 = arith.constant 4 : i32
      %parallel_loop3A_80 = arith.addi %parallel_loop3A_78, %parallel_loop3A_79 : i32
      %parallel_loop3A_81 = arith.constant 0 : i32
      %parallel_loop3A_82 = tpu.memref_slice %arg6[%parallel_loop3A_80, %parallel_loop3A_81] : memref<512x64xf32, #tpu.memory_space<vmem>> -> memref<1x64xf32, #tpu.memory_space<vmem>>
      %parallel_loop3A_83 = arith.constant 0 : i32
      %parallel_loop3A_84 = tpu.memref_slice %arg3[%parallel_loop3A_76, %parallel_loop3A_83] : memref<1000001x64xf32, #tpu.memory_space<hbm>> -> memref<1x64xf32, #tpu.memory_space<hbm>>
      %parallel_loop3A_85 = arith.constant 0 : i32
      %parallel_loop3A_86 = tpu.memref_slice %arg6[%parallel_loop3A_80, %parallel_loop3A_85] : memref<512x64xf32, #tpu.memory_space<vmem>> -> memref<1x64xf32, #tpu.memory_space<vmem>>
      %parallel_loop3A_87 = arith.constant 0 : i32
      %parallel_loop3A_88 = tpu.memref_slice %arg3[%parallel_loop3A_76, %parallel_loop3A_87] : memref<1000001x64xf32, #tpu.memory_space<hbm>> -> memref<1x64xf32, #tpu.memory_space<hbm>>
      tpu.enqueue_dma source(%parallel_loop3A_88 : memref<1x64xf32, #tpu.memory_space<hbm>>) target(%parallel_loop3A_86 : memref<1x64xf32, #tpu.memory_space<vmem>>) target_semaphore(%arg8 : memref<!tpu.dma_semaphore, #tpu.memory_space<semaphore_mem>>)
      %parallel_loop3A_89 = vector.extract_strided_slice %parallel_loop3A_18 {offsets = [5], sizes = [1], strides = [1]} : vector<16xi32> to vector<1xi32>
      %parallel_loop3A_90 = vector.extract %parallel_loop3A_89[0] : i32 from vector<1xi32>
      %parallel_loop3A_91 = arith.constant 16 : i32
      %parallel_loop3A_92 = arith.muli %parallel_loop3A_13, %parallel_loop3A_91 : i32
      %parallel_loop3A_93 = arith.constant 5 : i32
      %parallel_loop3A_94 = arith.addi %parallel_loop3A_92, %parallel_loop3A_93 : i32
      %parallel_loop3A_95 = arith.constant 0 : i32
      %parallel_loop3A_96 = tpu.memref_slice %arg6[%parallel_loop3A_94, %parallel_loop3A_95] : memref<512x64xf32, #tpu.memory_space<vmem>> -> memref<1x64xf32, #tpu.memory_space<vmem>>
      %parallel_loop3A_97 = arith.constant 0 : i32
      %parallel_loop3A_98 = tpu.memref_slice %arg3[%parallel_loop3A_90, %parallel_loop3A_97] : memref<1000001x64xf32, #tpu.memory_space<hbm>> -> memref<1x64xf32, #tpu.memory_space<hbm>>
      %parallel_loop3A_99 = arith.constant 0 : i32
      %parallel_loop3A_100 = tpu.memref_slice %arg6[%parallel_loop3A_94, %parallel_loop3A_99] : memref<512x64xf32, #tpu.memory_space<vmem>> -> memref<1x64xf32, #tpu.memory_space<vmem>>
      %parallel_loop3A_101 = arith.constant 0 : i32
      %parallel_loop3A_102 = tpu.memref_slice %arg3[%parallel_loop3A_90, %parallel_loop3A_101] : memref<1000001x64xf32, #tpu.memory_space<hbm>> -> memref<1x64xf32, #tpu.memory_space<hbm>>
      tpu.enqueue_dma source(%parallel_loop3A_102 : memref<1x64xf32, #tpu.memory_space<hbm>>) target(%parallel_loop3A_100 : memref<1x64xf32, #tpu.memory_space<vmem>>) target_semaphore(%arg8 : memref<!tpu.dma_semaphore, #tpu.memory_space<semaphore_mem>>)
      %parallel_loop3A_103 = vector.extract_strided_slice %parallel_loop3A_18 {offsets = [6], sizes = [1], strides = [1]} : vector<16xi32> to vector<1xi32>
      %parallel_loop3A_104 = vector.extract %parallel_loop3A_103[0] : i32 from vector<1xi32>
      %parallel_loop3A_105 = arith.constant 16 : i32
      %parallel_loop3A_106 = arith.muli %parallel_loop3A_13, %parallel_loop3A_105 : i32
      %parallel_loop3A_107 = arith.constant 6 : i32
      %parallel_loop3A_108 = arith.addi %parallel_loop3A_106, %parallel_loop3A_107 : i32
      %parallel_loop3A_109 = arith.constant 0 : i32
      %parallel_loop3A_110 = tpu.memref_slice %arg6[%parallel_loop3A_108, %parallel_loop3A_109] : memref<512x64xf32, #tpu.memory_space<vmem>> -> memref<1x64xf32, #tpu.memory_space<vmem>>
      %parallel_loop3A_111 = arith.constant 0 : i32
      %parallel_loop3A_112 = tpu.memref_slice %arg3[%parallel_loop3A_104, %parallel_loop3A_111] : memref<1000001x64xf32, #tpu.memory_space<hbm>> -> memref<1x64xf32, #tpu.memory_space<hbm>>
      %parallel_loop3A_113 = arith.constant 0 : i32
      %parallel_loop3A_114 = tpu.memref_slice %arg6[%parallel_loop3A_108, %parallel_loop3A_113] : memref<512x64xf32, #tpu.memory_space<vmem>> -> memref<1x64xf32, #tpu.memory_space<vmem>>
      %parallel_loop3A_115 = arith.constant 0 : i32
      %parallel_loop3A_116 = tpu.memref_slice %arg3[%parallel_loop3A_104, %parallel_loop3A_115] : memref<1000001x64xf32, #tpu.memory_space<hbm>> -> memref<1x64xf32, #tpu.memory_space<hbm>>
      tpu.enqueue_dma source(%parallel_loop3A_116 : memref<1x64xf32, #tpu.memory_space<hbm>>) target(%parallel_loop3A_114 : memref<1x64xf32, #tpu.memory_space<vmem>>) target_semaphore(%arg8 : memref<!tpu.dma_semaphore, #tpu.memory_space<semaphore_mem>>)
      %parallel_loop3A_117 = vector.extract_strided_slice %parallel_loop3A_18 {offsets = [7], sizes = [1], strides = [1]} : vector<16xi32> to vector<1xi32>
      %parallel_loop3A_118 = vector.extract %parallel_loop3A_117[0] : i32 from vector<1xi32>
      %parallel_loop3A_119 = arith.constant 16 : i32
      %parallel_loop3A_120 = arith.muli %parallel_loop3A_13, %parallel_loop3A_119 : i32
      %parallel_loop3A_121 = arith.constant 7 : i32
      %parallel_loop3A_122 = arith.addi %parallel_loop3A_120, %parallel_loop3A_121 : i32
      %parallel_loop3A_123 = arith.constant 0 : i32
      %parallel_loop3A_124 = tpu.memref_slice %arg6[%parallel_loop3A_122, %parallel_loop3A_123] : memref<512x64xf32, #tpu.memory_space<vmem>> -> memref<1x64xf32, #tpu.memory_space<vmem>>
      %parallel_loop3A_125 = arith.constant 0 : i32
      %parallel_loop3A_126 = tpu.memref_slice %arg3[%parallel_loop3A_118, %parallel_loop3A_125] : memref<1000001x64xf32, #tpu.memory_space<hbm>> -> memref<1x64xf32, #tpu.memory_space<hbm>>
      %parallel_loop3A_127 = arith.constant 0 : i32
      %parallel_loop3A_128 = tpu.memref_slice %arg6[%parallel_loop3A_122, %parallel_loop3A_127] : memref<512x64xf32, #tpu.memory_space<vmem>> -> memref<1x64xf32, #tpu.memory_space<vmem>>
      %parallel_loop3A_129 = arith.constant 0 : i32
      %parallel_loop3A_130 = tpu.memref_slice %arg3[%parallel_loop3A_118, %parallel_loop3A_129] : memref<1000001x64xf32, #tpu.memory_space<hbm>> -> memref<1x64xf32, #tpu.memory_space<hbm>>
      tpu.enqueue_dma source(%parallel_loop3A_130 : memref<1x64xf32, #tpu.memory_space<hbm>>) target(%parallel_loop3A_128 : memref<1x64xf32, #tpu.memory_space<vmem>>) target_semaphore(%arg8 : memref<!tpu.dma_semaphore, #tpu.memory_space<semaphore_mem>>)
      %parallel_loop3A_131 = vector.extract_strided_slice %parallel_loop3A_18 {offsets = [8], sizes = [1], strides = [1]} : vector<16xi32> to vector<1xi32>
      %parallel_loop3A_132 = vector.extract %parallel_loop3A_131[0] : i32 from vector<1xi32>
      %parallel_loop3A_133 = arith.constant 16 : i32
      %parallel_loop3A_134 = arith.muli %parallel_loop3A_13, %parallel_loop3A_133 : i32
      %parallel_loop3A_135 = arith.constant 8 : i32
      %parallel_loop3A_136 = arith.addi %parallel_loop3A_134, %parallel_loop3A_135 : i32
      %parallel_loop3A_137 = arith.constant 0 : i32
      %parallel_loop3A_138 = tpu.memref_slice %arg6[%parallel_loop3A_136, %parallel_loop3A_137] : memref<512x64xf32, #tpu.memory_space<vmem>> -> memref<1x64xf32, #tpu.memory_space<vmem>>
      %parallel_loop3A_139 = arith.constant 0 : i32
      %parallel_loop3A_140 = tpu.memref_slice %arg3[%parallel_loop3A_132, %parallel_loop3A_139] : memref<1000001x64xf32, #tpu.memory_space<hbm>> -> memref<1x64xf32, #tpu.memory_space<hbm>>
      %parallel_loop3A_141 = arith.constant 0 : i32
      %parallel_loop3A_142 = tpu.memref_slice %arg6[%parallel_loop3A_136, %parallel_loop3A_141] : memref<512x64xf32, #tpu.memory_space<vmem>> -> memref<1x64xf32, #tpu.memory_space<vmem>>
      %parallel_loop3A_143 = arith.constant 0 : i32
      %parallel_loop3A_144 = tpu.memref_slice %arg3[%parallel_loop3A_132, %parallel_loop3A_143] : memref<1000001x64xf32, #tpu.memory_space<hbm>> -> memref<1x64xf32, #tpu.memory_space<hbm>>
      tpu.enqueue_dma source(%parallel_loop3A_144 : memref<1x64xf32, #tpu.memory_space<hbm>>) target(%parallel_loop3A_142 : memref<1x64xf32, #tpu.memory_space<vmem>>) target_semaphore(%arg8 : memref<!tpu.dma_semaphore, #tpu.memory_space<semaphore_mem>>)
      %parallel_loop3A_145 = vector.extract_strided_slice %parallel_loop3A_18 {offsets = [9], sizes = [1], strides = [1]} : vector<16xi32> to vector<1xi32>
      %parallel_loop3A_146 = vector.extract %parallel_loop3A_145[0] : i32 from vector<1xi32>
      %parallel_loop3A_147 = arith.constant 16 : i32
      %parallel_loop3A_148 = arith.muli %parallel_loop3A_13, %parallel_loop3A_147 : i32
      %parallel_loop3A_149 = arith.constant 9 : i32
      %parallel_loop3A_150 = arith.addi %parallel_loop3A_148, %parallel_loop3A_149 : i32
      %parallel_loop3A_151 = arith.constant 0 : i32
      %parallel_loop3A_152 = tpu.memref_slice %arg6[%parallel_loop3A_150, %parallel_loop3A_151] : memref<512x64xf32, #tpu.memory_space<vmem>> -> memref<1x64xf32, #tpu.memory_space<vmem>>
      %parallel_loop3A_153 = arith.constant 0 : i32
      %parallel_loop3A_154 = tpu.memref_slice %arg3[%parallel_loop3A_146, %parallel_loop3A_153] : memref<1000001x64xf32, #tpu.memory_space<hbm>> -> memref<1x64xf32, #tpu.memory_space<hbm>>
      %parallel_loop3A_155 = arith.constant 0 : i32
      %parallel_loop3A_156 = tpu.memref_slice %arg6[%parallel_loop3A_150, %parallel_loop3A_155] : memref<512x64xf32, #tpu.memory_space<vmem>> -> memref<1x64xf32, #tpu.memory_space<vmem>>
      %parallel_loop3A_157 = arith.constant 0 : i32
      %parallel_loop3A_158 = tpu.memref_slice %arg3[%parallel_loop3A_146, %parallel_loop3A_157] : memref<1000001x64xf32, #tpu.memory_space<hbm>> -> memref<1x64xf32, #tpu.memory_space<hbm>>
      tpu.enqueue_dma source(%parallel_loop3A_158 : memref<1x64xf32, #tpu.memory_space<hbm>>) target(%parallel_loop3A_156 : memref<1x64xf32, #tpu.memory_space<vmem>>) target_semaphore(%arg8 : memref<!tpu.dma_semaphore, #tpu.memory_space<semaphore_mem>>)
      %parallel_loop3A_159 = vector.extract_strided_slice %parallel_loop3A_18 {offsets = [10], sizes = [1], strides = [1]} : vector<16xi32> to vector<1xi32>
      %parallel_loop3A_160 = vector.extract %parallel_loop3A_159[0] : i32 from vector<1xi32>
      %parallel_loop3A_161 = arith.constant 16 : i32
      %parallel_loop3A_162 = arith.muli %parallel_loop3A_13, %parallel_loop3A_161 : i32
      %parallel_loop3A_163 = arith.constant 10 : i32
      %parallel_loop3A_164 = arith.addi %parallel_loop3A_162, %parallel_loop3A_163 : i32
      %parallel_loop3A_165 = arith.constant 0 : i32
      %parallel_loop3A_166 = tpu.memref_slice %arg6[%parallel_loop3A_164, %parallel_loop3A_165] : memref<512x64xf32, #tpu.memory_space<vmem>> -> memref<1x64xf32, #tpu.memory_space<vmem>>
      %parallel_loop3A_167 = arith.constant 0 : i32
      %parallel_loop3A_168 = tpu.memref_slice %arg3[%parallel_loop3A_160, %parallel_loop3A_167] : memref<1000001x64xf32, #tpu.memory_space<hbm>> -> memref<1x64xf32, #tpu.memory_space<hbm>>
      %parallel_loop3A_169 = arith.constant 0 : i32
      %parallel_loop3A_170 = tpu.memref_slice %arg6[%parallel_loop3A_164, %parallel_loop3A_169] : memref<512x64xf32, #tpu.memory_space<vmem>> -> memref<1x64xf32, #tpu.memory_space<vmem>>
      %parallel_loop3A_171 = arith.constant 0 : i32
      %parallel_loop3A_172 = tpu.memref_slice %arg3[%parallel_loop3A_160, %parallel_loop3A_171] : memref<1000001x64xf32, #tpu.memory_space<hbm>> -> memref<1x64xf32, #tpu.memory_space<hbm>>
      tpu.enqueue_dma source(%parallel_loop3A_172 : memref<1x64xf32, #tpu.memory_space<hbm>>) target(%parallel_loop3A_170 : memref<1x64xf32, #tpu.memory_space<vmem>>) target_semaphore(%arg8 : memref<!tpu.dma_semaphore, #tpu.memory_space<semaphore_mem>>)
      %parallel_loop3A_173 = vector.extract_strided_slice %parallel_loop3A_18 {offsets = [11], sizes = [1], strides = [1]} : vector<16xi32> to vector<1xi32>
      %parallel_loop3A_174 = vector.extract %parallel_loop3A_173[0] : i32 from vector<1xi32>
      %parallel_loop3A_175 = arith.constant 16 : i32
      %parallel_loop3A_176 = arith.muli %parallel_loop3A_13, %parallel_loop3A_175 : i32
      %parallel_loop3A_177 = arith.constant 11 : i32
      %parallel_loop3A_178 = arith.addi %parallel_loop3A_176, %parallel_loop3A_177 : i32
      %parallel_loop3A_179 = arith.constant 0 : i32
      %parallel_loop3A_180 = tpu.memref_slice %arg6[%parallel_loop3A_178, %parallel_loop3A_179] : memref<512x64xf32, #tpu.memory_space<vmem>> -> memref<1x64xf32, #tpu.memory_space<vmem>>
      %parallel_loop3A_181 = arith.constant 0 : i32
      %parallel_loop3A_182 = tpu.memref_slice %arg3[%parallel_loop3A_174, %parallel_loop3A_181] : memref<1000001x64xf32, #tpu.memory_space<hbm>> -> memref<1x64xf32, #tpu.memory_space<hbm>>
      %parallel_loop3A_183 = arith.constant 0 : i32
      %parallel_loop3A_184 = tpu.memref_slice %arg6[%parallel_loop3A_178, %parallel_loop3A_183] : memref<512x64xf32, #tpu.memory_space<vmem>> -> memref<1x64xf32, #tpu.memory_space<vmem>>
      %parallel_loop3A_185 = arith.constant 0 : i32
      %parallel_loop3A_186 = tpu.memref_slice %arg3[%parallel_loop3A_174, %parallel_loop3A_185] : memref<1000001x64xf32, #tpu.memory_space<hbm>> -> memref<1x64xf32, #tpu.memory_space<hbm>>
      tpu.enqueue_dma source(%parallel_loop3A_186 : memref<1x64xf32, #tpu.memory_space<hbm>>) target(%parallel_loop3A_184 : memref<1x64xf32, #tpu.memory_space<vmem>>) target_semaphore(%arg8 : memref<!tpu.dma_semaphore, #tpu.memory_space<semaphore_mem>>)
      %parallel_loop3A_187 = vector.extract_strided_slice %parallel_loop3A_18 {offsets = [12], sizes = [1], strides = [1]} : vector<16xi32> to vector<1xi32>
      %parallel_loop3A_188 = vector.extract %parallel_loop3A_187[0] : i32 from vector<1xi32>
      %parallel_loop3A_189 = arith.constant 16 : i32
      %parallel_loop3A_190 = arith.muli %parallel_loop3A_13, %parallel_loop3A_189 : i32
      %parallel_loop3A_191 = arith.constant 12 : i32
      %parallel_loop3A_192 = arith.addi %parallel_loop3A_190, %parallel_loop3A_191 : i32
      %parallel_loop3A_193 = arith.constant 0 : i32
      %parallel_loop3A_194 = tpu.memref_slice %arg6[%parallel_loop3A_192, %parallel_loop3A_193] : memref<512x64xf32, #tpu.memory_space<vmem>> -> memref<1x64xf32, #tpu.memory_space<vmem>>
      %parallel_loop3A_195 = arith.constant 0 : i32
      %parallel_loop3A_196 = tpu.memref_slice %arg3[%parallel_loop3A_188, %parallel_loop3A_195] : memref<1000001x64xf32, #tpu.memory_space<hbm>> -> memref<1x64xf32, #tpu.memory_space<hbm>>
      %parallel_loop3A_197 = arith.constant 0 : i32
      %parallel_loop3A_198 = tpu.memref_slice %arg6[%parallel_loop3A_192, %parallel_loop3A_197] : memref<512x64xf32, #tpu.memory_space<vmem>> -> memref<1x64xf32, #tpu.memory_space<vmem>>
      %parallel_loop3A_199 = arith.constant 0 : i32
      %parallel_loop3A_200 = tpu.memref_slice %arg3[%parallel_loop3A_188, %parallel_loop3A_199] : memref<1000001x64xf32, #tpu.memory_space<hbm>> -> memref<1x64xf32, #tpu.memory_space<hbm>>
      tpu.enqueue_dma source(%parallel_loop3A_200 : memref<1x64xf32, #tpu.memory_space<hbm>>) target(%parallel_loop3A_198 : memref<1x64xf32, #tpu.memory_space<vmem>>) target_semaphore(%arg8 : memref<!tpu.dma_semaphore, #tpu.memory_space<semaphore_mem>>)
      %parallel_loop3A_201 = vector.extract_strided_slice %parallel_loop3A_18 {offsets = [13], sizes = [1], strides = [1]} : vector<16xi32> to vector<1xi32>
      %parallel_loop3A_202 = vector.extract %parallel_loop3A_201[0] : i32 from vector<1xi32>
      %parallel_loop3A_203 = arith.constant 16 : i32
      %parallel_loop3A_204 = arith.muli %parallel_loop3A_13, %parallel_loop3A_203 : i32
      %parallel_loop3A_205 = arith.constant 13 : i32
      %parallel_loop3A_206 = arith.addi %parallel_loop3A_204, %parallel_loop3A_205 : i32
      %parallel_loop3A_207 = arith.constant 0 : i32
      %parallel_loop3A_208 = tpu.memref_slice %arg6[%parallel_loop3A_206, %parallel_loop3A_207] : memref<512x64xf32, #tpu.memory_space<vmem>> -> memref<1x64xf32, #tpu.memory_space<vmem>>
      %parallel_loop3A_209 = arith.constant 0 : i32
      %parallel_loop3A_210 = tpu.memref_slice %arg3[%parallel_loop3A_202, %parallel_loop3A_209] : memref<1000001x64xf32, #tpu.memory_space<hbm>> -> memref<1x64xf32, #tpu.memory_space<hbm>>
      %parallel_loop3A_211 = arith.constant 0 : i32
      %parallel_loop3A_212 = tpu.memref_slice %arg6[%parallel_loop3A_206, %parallel_loop3A_211] : memref<512x64xf32, #tpu.memory_space<vmem>> -> memref<1x64xf32, #tpu.memory_space<vmem>>
      %parallel_loop3A_213 = arith.constant 0 : i32
      %parallel_loop3A_214 = tpu.memref_slice %arg3[%parallel_loop3A_202, %parallel_loop3A_213] : memref<1000001x64xf32, #tpu.memory_space<hbm>> -> memref<1x64xf32, #tpu.memory_space<hbm>>
      tpu.enqueue_dma source(%parallel_loop3A_214 : memref<1x64xf32, #tpu.memory_space<hbm>>) target(%parallel_loop3A_212 : memref<1x64xf32, #tpu.memory_space<vmem>>) target_semaphore(%arg8 : memref<!tpu.dma_semaphore, #tpu.memory_space<semaphore_mem>>)
      %parallel_loop3A_215 = vector.extract_strided_slice %parallel_loop3A_18 {offsets = [14], sizes = [1], strides = [1]} : vector<16xi32> to vector<1xi32>
      %parallel_loop3A_216 = vector.extract %parallel_loop3A_215[0] : i32 from vector<1xi32>
      %parallel_loop3A_217 = arith.constant 16 : i32
      %parallel_loop3A_218 = arith.muli %parallel_loop3A_13, %parallel_loop3A_217 : i32
      %parallel_loop3A_219 = arith.constant 14 : i32
      %parallel_loop3A_220 = arith.addi %parallel_loop3A_218, %parallel_loop3A_219 : i32
      %parallel_loop3A_221 = arith.constant 0 : i32
      %parallel_loop3A_222 = tpu.memref_slice %arg6[%parallel_loop3A_220, %parallel_loop3A_221] : memref<512x64xf32, #tpu.memory_space<vmem>> -> memref<1x64xf32, #tpu.memory_space<vmem>>
      %parallel_loop3A_223 = arith.constant 0 : i32
      %parallel_loop3A_224 = tpu.memref_slice %arg3[%parallel_loop3A_216, %parallel_loop3A_223] : memref<1000001x64xf32, #tpu.memory_space<hbm>> -> memref<1x64xf32, #tpu.memory_space<hbm>>
      %parallel_loop3A_225 = arith.constant 0 : i32
      %parallel_loop3A_226 = tpu.memref_slice %arg6[%parallel_loop3A_220, %parallel_loop3A_225] : memref<512x64xf32, #tpu.memory_space<vmem>> -> memref<1x64xf32, #tpu.memory_space<vmem>>
      %parallel_loop3A_227 = arith.constant 0 : i32
      %parallel_loop3A_228 = tpu.memref_slice %arg3[%parallel_loop3A_216, %parallel_loop3A_227] : memref<1000001x64xf32, #tpu.memory_space<hbm>> -> memref<1x64xf32, #tpu.memory_space<hbm>>
      tpu.enqueue_dma source(%parallel_loop3A_228 : memref<1x64xf32, #tpu.memory_space<hbm>>) target(%parallel_loop3A_226 : memref<1x64xf32, #tpu.memory_space<vmem>>) target_semaphore(%arg8 : memref<!tpu.dma_semaphore, #tpu.memory_space<semaphore_mem>>)
      %parallel_loop3A_229 = vector.extract_strided_slice %parallel_loop3A_18 {offsets = [15], sizes = [1], strides = [1]} : vector<16xi32> to vector<1xi32>
      %parallel_loop3A_230 = vector.extract %parallel_loop3A_229[0] : i32 from vector<1xi32>
      %parallel_loop3A_231 = arith.constant 16 : i32
      %parallel_loop3A_232 = arith.muli %parallel_loop3A_13, %parallel_loop3A_231 : i32
      %parallel_loop3A_233 = arith.constant 15 : i32
      %parallel_loop3A_234 = arith.addi %parallel_loop3A_232, %parallel_loop3A_233 : i32
      %parallel_loop3A_235 = arith.constant 0 : i32
      %parallel_loop3A_236 = tpu.memref_slice %arg6[%parallel_loop3A_234, %parallel_loop3A_235] : memref<512x64xf32, #tpu.memory_space<vmem>> -> memref<1x64xf32, #tpu.memory_space<vmem>>
      %parallel_loop3A_237 = arith.constant 0 : i32
      %parallel_loop3A_238 = tpu.memref_slice %arg3[%parallel_loop3A_230, %parallel_loop3A_237] : memref<1000001x64xf32, #tpu.memory_space<hbm>> -> memref<1x64xf32, #tpu.memory_space<hbm>>
      %parallel_loop3A_239 = arith.constant 0 : i32
      %parallel_loop3A_240 = tpu.memref_slice %arg6[%parallel_loop3A_234, %parallel_loop3A_239] : memref<512x64xf32, #tpu.memory_space<vmem>> -> memref<1x64xf32, #tpu.memory_space<vmem>>
      %parallel_loop3A_241 = arith.constant 0 : i32
      %parallel_loop3A_242 = tpu.memref_slice %arg3[%parallel_loop3A_230, %parallel_loop3A_241] : memref<1000001x64xf32, #tpu.memory_space<hbm>> -> memref<1x64xf32, #tpu.memory_space<hbm>>
      tpu.enqueue_dma source(%parallel_loop3A_242 : memref<1x64xf32, #tpu.memory_space<hbm>>) target(%parallel_loop3A_240 : memref<1x64xf32, #tpu.memory_space<vmem>>) target_semaphore(%arg8 : memref<!tpu.dma_semaphore, #tpu.memory_space<semaphore_mem>>)
    } {sc.loop_unroll_factor = 2 : i64, sc.parallel_access}
    %dma_wait3A_7 = arith.constant 0 : i32
    %dma_wait3A_8 = arith.constant 0 : i32
    %dma_wait3A_9 = tpu.memref_slice %arg3[%dma_wait3A_7, %dma_wait3A_8] : memref<1000001x64xf32, #tpu.memory_space<hbm>> -> memref<512x64xf32, #tpu.memory_space<hbm>>
    %dma_wait3A_10 = arith.constant 0 : i32
    %dma_wait3A_11 = arith.constant 0 : i32
    %dma_wait3A_12 = tpu.memref_slice %arg3[%dma_wait3A_10, %dma_wait3A_11] : memref<1000001x64xf32, #tpu.memory_space<hbm>> -> memref<512x64xf32, #tpu.memory_space<hbm>>
    tpu.wait_dma2 semaphore(%arg8 : memref<!tpu.dma_semaphore, #tpu.memory_space<semaphore_mem>>) src(%dma_wait3A_12 : memref<512x64xf32, #tpu.memory_space<hbm>>) dst(%arg6 : memref<512x64xf32, #tpu.memory_space<vmem>>)
    "tpu.region"() ({
      %run_scoped3A = tpu.sem_alloc : memref<!tpu.dma_semaphore, #tpu.memory_space<semaphore_mem>>
      %dma_start3A_13 = arith.constant 0 : i32
      %dma_start3A_14 = tpu.memref_slice %arg4[%mul3A_2, %dma_start3A_13] : memref<16384x64xf32, #tpu.memory_space<hbm>> -> memref<512x64xf32, #tpu.memory_space<hbm>>
      %dma_start3A_15 = arith.constant 0 : i32
      %dma_start3A_16 = tpu.memref_slice %arg4[%mul3A_2, %dma_start3A_15] : memref<16384x64xf32, #tpu.memory_space<hbm>> -> memref<512x64xf32, #tpu.memory_space<hbm>>
      tpu.enqueue_dma source(%arg6 : memref<512x64xf32, #tpu.memory_space<vmem>>) target(%dma_start3A_16 : memref<512x64xf32, #tpu.memory_space<hbm>>) target_semaphore(%run_scoped3A : memref<!tpu.dma_semaphore, #tpu.memory_space<semaphore_mem>>)
      %dma_wait3A_17 = arith.constant 0 : i32
      %dma_wait3A_18 = tpu.memref_slice %arg4[%mul3A_2, %dma_wait3A_17] : memref<16384x64xf32, #tpu.memory_space<hbm>> -> memref<512x64xf32, #tpu.memory_space<hbm>>
      %dma_wait3A_19 = arith.constant 0 : i32
      %dma_wait3A_20 = tpu.memref_slice %arg4[%mul3A_2, %dma_wait3A_19] : memref<16384x64xf32, #tpu.memory_space<hbm>> -> memref<512x64xf32, #tpu.memory_space<hbm>>
      tpu.wait_dma2 semaphore(%run_scoped3A : memref<!tpu.dma_semaphore, #tpu.memory_space<semaphore_mem>>) src(%arg6 : memref<512x64xf32, #tpu.memory_space<vmem>>) dst(%dma_wait3A_20 : memref<512x64xf32, #tpu.memory_space<hbm>>)
      tpu.yield
    }) : () -> ()
    return
  }
}

</mosaic_0001>

<sc_bundles>
// kernel: kernel.3.cloned.1.call-start
scs
__scs_entry_jumppad:
0x0: {  	(pc) =	sbr.rel $0x88, $3  }
0x1: {  	(tag) =	ssettag $0x0;
	lr =	simm.s32 $0x1  }
0x2: {  	[smem:$0x3F9F] =	sst lr;
	_ =	strace $0xD0000000  }
0x3: {  	_ = 	snop  }
0x4: {  	_ = 	snop  }
0x5: {  	_ = 	snop  }
0x6: {  	_ = 	snop  }
0x7: {  	_ = 	snop  }
__scs_overlays_trampoline_lowered:
0x8: {  	[smem:$0x3FAE] =	sst s0  }
0x9: {  	[smem:$0x3FAF] =	sst s1  }
0xa: {  	[smem:$0x3FB0] =	sst s2  }
0xb: {  	[smem:$0x3FB1] =	sst s3  }
0xc: {  	[smem:$0x3FB2] =	sst s4  }
0xd: {  	[smem:$0x3FB3] =	sst s5  }
0xe: {  	[smem:$0x3FB4] =	sst s6  }
0xf: {  	[smem:$0x3FB5] =	sst s7  }
0x10: {  	[smem:$0x3FB6] =	sst s8  }
0x11: {  	[smem:$0x3FB7] =	sst s9;
	s0 =	simm.s32 @!p0 $0x0  }
0x12: {  	s1 =	sld [smem:$0x3F9D];
	s0 =	simm.s32 @p0 $0x1  }
0x13: {  	[smem:$0x3FB8] =	sst s0;
	s0 =	simm.s32 @!p1 $0x0  }
0x14: {  	s2 =	sld [smem:$0x3F9C];
	s0 =	simm.s32 @p1 $0x1  }
0x15: {  	[smem:$0x3FB9] =	sst s0;
	s0 =	simm.s32 @!p2 $0x0  }
0x16: {  	s3 =	sld [smem:$0x3FDB];
	s0 =	simm.s32 @p2 $0x1  }
0x17: {  	s4 =	simm.s32 $0x1BF5;
	[smem:$0x3FBB] =	sst s0  }
0x18: {  	s0 =	sld [smem:$0x3F9E];
	_ =	swait.ge [sflag:s4], $0x0  }
0x19: {  	s7 =	sld [smem:$0x3F9F]  }
0x1a: {  	s8 =	sadd.s32 $0xFFFFE003, lr  }
0x1b: {  	s9 =	sadd.s32 $0xFFFFFEF7, lr;
	s5 =	simm.s32 $0xFFFFFFFF;
	p2 =	slt.u32 s8, $0xFFFFF086  }
0x1c: {  	p1 =	slt.u32 s9, $0xF7A;
	s5 =	simm.s32 @!p2 $0x0  }
0x1d: {  	s5 =	simm.s32 @p1 $0x1;
	p0 =	seq.s32 s7, s2  }
0x1e: {  	s7 =	smul.u32 @!p0 $0xF7A, s2;
	p2 =	seq.s32 @!p0 s5, $0x0  }
0x1f: {  	s9 =	smul.u32 $0xF7A, s1;
	s8 =	simm.s32 @!p0 $0x1BF5;
	p2 =	por !p2, p0  }
0x20: {  	[sflag:s8] =	ssyncset.s32 @!p0 $0xFFFFF086;
	s6 =	sadd.s32 @!p0 s3, s7;
	s7 =	simm.s32 @!p0 $0x108  }
0x21: {  	s3 =	sadd.s32 s3, s9;
	s6 =	sadd.s32 @!p0 $0x88, s6;
	s7 =	simm.s32 @p2 $0x1082  }
0x22: {  	[simem:s7], [sflag:s8] =	dma.local @!p0 [hbm:s6], $0xF7A  }
0x23: {  	s9 =	sor.u32 $0xD0000000, s2;
	s6 =	simm.s32 $0x108;
	_ =	swait.ge @!p0 [sflag:s8], $0x0  }
0x24: {  	s3 =	sadd.s32 $0x88, s3;
	s6 =	simm.s32 @!p1 $0x1082;
	[sflag:s4] =	ssyncset.s32 $0xFFFFF086  }
0x25: {  	[simem:s6], [sflag:s4] =	dma.local [hbm:s3], $0xF7A  }
0x26: {  	[smem:$0x3F9F] =	sst s1;
	(tag) =	ssettag s2;
	_ =	strace s9  }
0x27: {  	s1 =	sld [smem:$0x3FAF]  }
0x28: {  	s2 =	sld [smem:$0x3FB0]  }
0x29: {  	s4 =	sld [smem:$0x3FB2]  }
0x2a: {  	p0 =	seq.s32 s5, $0x0;
	s5 =	sld [smem:$0x3FB3]  }
0x2b: {  	s6 =	sld [smem:$0x3FB4]  }
0x2c: {  	s7 =	sld [smem:$0x3FB5]  }
0x2d: {  	s3 =	simm.s32 $0x108;
	s8 =	sld [smem:$0x3FB6]  }
0x2e: {  	s3 =	simm.s32 @!p0 $0x1082;
	s9 =	sld [smem:$0x3FB7]  }
0x2f: {  	lr =	sadd.s32 s0, s3;
	s0 =	sld [smem:$0x3FAE]  }
0x30: {  	s3 =	sld [smem:$0x3FB1]  }
0x31: {  	[smem:$0x3FBA] =	sst s10  }
0x32: {  	s10 =	sld [smem:$0x3FB8];
	_ =	sdelay $0x3  }
0x33: {  	p0 =	seq.s32 s10, $0x1;
	s10 =	sld [smem:$0x3FBA];
	_ =	sdelay $0x3  }
0x34: {  	[smem:$0x3FBA] =	sst s10  }
0x35: {  	s10 =	sld [smem:$0x3FB9];
	_ =	sdelay $0x3  }
0x36: {  	p1 =	seq.s32 s10, $0x1;
	s10 =	sld [smem:$0x3FBA];
	_ =	sdelay $0x3  }
0x37: {  	[smem:$0x3FBA] =	sst s10  }
0x38: {  	s10 =	sld [smem:$0x3FBB]  }
0x39: {  	_ = 	snop;
	(pc) =	sbr.ind lr, $3  }
0x3a: {  	_ = 	snop  }
0x3b: {  	_ = 	snop  }
0x3c: {  	p2 =	seq.s32 s10, $0x1;
	s10 =	sld [smem:$0x3FBA]  }
0x3d: {  	_ =	shalt  }
0x3e: {  	_ =	shalt  }
0x3f: {  	_ =	shalt  }
0x40: {  	_ =	shalt  }
0x41: {  	_ =	shalt  }
0x42: {  	_ =	shalt  }
0x43: {  	_ =	shalt  }
0x44: {  	_ =	shalt  }
0x45: {  	_ =	shalt  }
0x46: {  	_ =	shalt  }
0x47: {  	_ =	shalt  }
0x48: {  	_ =	shalt  }
0x49: {  	_ =	shalt  }
0x4a: {  	_ =	shalt  }
0x4b: {  	_ =	shalt  }
0x4c: {  	_ =	shalt  }
0x4d: {  	_ =	shalt  }
0x4e: {  	_ =	shalt  }
0x4f: {  	_ =	shalt  }
0x50: {  	_ =	shalt  }
0x51: {  	_ =	shalt  }
0x52: {  	_ =	shalt  }
0x53: {  	_ =	shalt  }
0x54: {  	_ =	shalt  }
0x55: {  	_ =	shalt  }
0x56: {  	_ =	shalt  }
0x57: {  	_ =	shalt  }
0x58: {  	_ =	shalt  }
0x59: {  	_ =	shalt  }
0x5a: {  	_ =	shalt  }
0x5b: {  	_ =	shalt  }
0x5c: {  	_ =	shalt  }
0x5d: {  	_ =	shalt  }
0x5e: {  	_ =	shalt  }
0x5f: {  	_ =	shalt  }
0x60: {  	_ =	shalt  }
0x61: {  	_ =	shalt  }
0x62: {  	_ =	shalt  }
0x63: {  	_ =	shalt  }
0x64: {  	_ =	shalt  }
0x65: {  	_ =	shalt  }
0x66: {  	_ =	shalt  }
0x67: {  	_ =	shalt  }
0x68: {  	_ =	shalt  }
0x69: {  	_ =	shalt  }
0x6a: {  	_ =	shalt  }
0x6b: {  	_ =	shalt  }
0x6c: {  	_ =	shalt  }
0x6d: {  	_ =	shalt  }
0x6e: {  	_ =	shalt  }
0x6f: {  	_ =	shalt  }
0x70: {  	_ =	shalt  }
0x71: {  	_ =	shalt  }
0x72: {  	_ =	shalt  }
0x73: {  	_ =	shalt  }
0x74: {  	_ =	shalt  }
0x75: {  	_ =	shalt  }
0x76: {  	_ =	shalt  }
0x77: {  	_ =	shalt  }
0x78: {  	_ =	shalt  }
0x79: {  	_ =	shalt  }
0x7a: {  	_ =	shalt  }
0x7b: {  	_ =	shalt  }
0x7c: {  	_ =	shalt  }
0x7d: {  	_ =	shalt  }
0x7e: {  	_ =	shalt  }
0x7f: {  	_ =	shalt  }
0x80: {  	_ =	shalt  }
0x81: {  	_ =	shalt  }
0x82: {  	_ =	shalt  }
0x83: {  	_ =	shalt  }
0x84: {  	_ =	shalt  }
0x85: {  	_ =	shalt  }
0x86: {  	_ =	shalt  }
0x87: {  	_ =	shalt  }
.Lfunc_end0:
.L_simem_size_0:
called_computation_lowered:
.L_overlay_start_0:
0x88: {  	s2 =	sld [smem:$0x3FD9]  }
0x89: {  	s3 =	sld [smem:$0x3FFE];
	_ =	sdelay $0x1  }
0x8a: {  	s1 =	srdreg.scid  }
0x8b: {  	s0 =	sand.u32 $0x1, s1  }
0x8c: {  	s17 =	sshll.u32 s0, $0xA;
	s2 =	sadd.s32 s3, s2  }
0x8d: {  	s2 =	sadd.s32 s2, s17  }
0x8e: {  	[smem:$0x3FC6] =	sst s2  }
0x8f: {  	_ = 	snop  }
0x90: {  	s2 =	sld [smem:$0x3FC9];
	(tm) =	ssettm $0x1  }
0x91: {  	s18 =	sld [smem:$0x3FFB];
	_ =	sdelay $0x3  }
0x92: {  	_ =	strace s18  }
0x93: {  	s3 =	sld [smem:$0x3FFC];
	_ =	sdelay $0x3  }
0x94: {  	_ =	strace s3  }
0x95: {  	s3 =	sld [smem:$0x3FFD];
	_ =	sdelay $0x3  }
0x96: {  	_ =	strace s3  }
0x97: {  	_ =	strace $0x8FFFFFFF  }
0x98: {  	s19 =	sld [smem:$0x3FDB];
	_ =	sdelay $0x1  }
0x99: {  	s4 =	simm.s32 $_scs_section_size  }
0x9a: {  	s5 =	simm.s32 $_size__tile_overlayer_lowered;
	s6 =	simm.s32 $_tile_overlayer_lowered  }
0x9b: {  	s22 =	simm.s32 $0x1BFF;
	s21 =	sshll.u32 s6, $0x1;
	s3 =	sadd.s32 s4, s19  }
0x9c: {  	s7 =	simm.s32 $0x0;
	s20 =	sshll.u32 s5, $0x1;
	s5 =	sadd.s32 s21, s3  }
0x9d: {  	[timem:s7], [sflag:s22] =	dma.local [hbm:s5], s20  }
0x9e: {  	_ =	swait.ge [sflag:s22], s20  }
0x9f: {  	s4 =	ssub.s32 $0x0, s20;
	[sflag:s22] =	ssyncset.done $0x0  }
0xa0: {  	[sflag:s22] =	ssyncadd.s32 s4;
	_ =	sdelay $0x1  }
0xa1: {  	s23 =	simm.s32 $0x1B8B  }
0xa2: {  	_ =	swait.ge [sflag:s23], $0x1  }
0xa3: {  	[sflag:s23] =	ssyncset.done $0x0  }
0xa4: {  	s25 =	simm.s32 $0x1B8E;
	s24 =	sld [smem:$0x3FFE];
	[sflag:s23] =	ssyncadd.s32 $0xFFFFFFFF  }
0xa5: {  	s26 =	simm.s32 $execute0_lowered;
	[smem:$0x3FD2] =	sst s25  }
0xa6: {  	s5 =	sshll.u32 s26, $0x1;
	_ =	strace $0x80000046;
	[dreg:$0x1] =	wrdreg $0xFFFFFFFF  }
0xa7: {  	s28 =	simm.s32 $_size_execute0_lowered;
	s3 =	sadd.s32 s3, s5;
	[dreg:$0x0] =	wrdreg $0x0  }
0xa8: {  	s5 =	sshll.u32 s28, $0x1;
	[dreg:$0x2] =	wrdreg s3  }
0xa9: {  	[dreg:$0x3] =	wrdreg s5  }
0xaa: {  	[dreg:$0x4] =	wrdreg $0xC0  }
0xab: {  	_ =	task [dreg:s7], $0x5FFFF  }
0xac: {  	[dreg:$0x1] =	wrdreg $0xFFFFFFFF  }
0xad: {  	[dreg:$0x0] =	wrdreg $0x60  }
0xae: {  	[dreg:$0x2] =	wrdreg s2  }
0xaf: {  	[dreg:$0x3] =	wrdreg s24  }
0xb0: {  	[dreg:$0x4] =	wrdreg $0x9  }
0xb1: {  	_ =	task.clear_ibuf [dreg:s7], $0x5FFFF;
	_ =	strace $0x90000046  }
0xb2: {  	s29 =	simm.s32 $0x9;
	_ =	strace $0x80000048  }
0xb3: {  	_ =	swait.ge [sflag:s29], $0x1  }
0xb4: {  	[sflag:s29] =	ssyncadd.s32 $0xFFFFFFFF  }
0xb5: {  	_ =	strace $0x90000048  }
0xb6: {  	_ =	sfence  }
0xb7: {  	s30 =	sld [smem:$0x0];
	_ =	sdelay $0x2  }
0xb8: {  	s31 =	sshll.u32 s1, $0xD;
	s1 =	sshrl.u32 s1, $0x2  }
0xb9: {  	s3 =	sand.u32 $0x4000, s31;
	s1 =	sadd.s32 s1, s30  }
0xba: {  	s0 =	sor.u32 s3, s0;
	s1 =	sshll.u32 s1, $0x11  }
0xbb: {  	s0 =	sor.u32 s1, s0  }
0xbc: {  	s0 =	sadd.s32 $0x8F2B, s0  }
0xbd: {  	[sflag:s0] =	ssyncadd.remote.s32 $0x1  }
0xbe: {  	_ =	sfence.sel $0xFFFF  }
0xbf: {  	[dreg:$0x0] =	wrdreg $0xFFFFFFFF;
	(pc) =	sbr.abs _section_cstart, $3  }
0xc0: {  	[dreg:$0x1] =	wrdreg $0xFFFFFFFF  }
0xc1: {  	_ =	task.clear_ibuf [dreg:s7], $0x2FFFF;
	_ =	strace $0x9FFFFFFF  }
0xc2: {  	(tm) =	ssettm $0x7FFFFFFF  }
0xc3: {  	_ =	shalt  }
tec
execute0_lowered:
.L_overlay_start_1:
0x0: {  	(tag) =	ssettag $0x1  }
0x1: {  	s0 =	rddreg [dreg:$0x0]  }
0x2: {  	s1 =	rddreg [dreg:$0x1];
	s3 =	srdreg.scid  }
0x3: {  	s2 =	simm.s32 $0x0;
	s5 =	stileid.u32;
	s4 =	sand.u32 $0x1, s3  }
0x4: {  	[smem:$0x7FF] =	sst s2;
	s26 =	sshll.u32 s5, $0xA;
	s28 =	sshll.u32 s4, $0x9  }
0x5: {  	s3 =	sadd.s32 $0x400, s1;
	s4 =	ssub.s32 $0x2, s4;
	s5 =	sor.u32 s28, s26  }
0x6: {  	s29 =	sshrl.u32 s4, $0x1;
	s6 =	sshll.u32 s5, $0x4;
	s5 =	sshrl.u32 s5, $0x3  }
0x7: {  	_ =	strace $0x80000047;
	s4 =	ssub.s32 s4, s29;
	s0 =	sadd.s32 s0, s5  }
0x8: {  	s1 =	sadd.s32 s6, s1;
	s31 =	smax.u32 s4, $0x1;
	[dreg:$0x4] =	wrdreg s0  }
0x9: {  	s30 =	sadd.s32 $0xF42A00, s1;
	[dreg:$0x6] =	wrdreg s31  }
0xa: {  	s4 =	simm.s32 $0x0;
	[dreg:$0x5] =	wrdreg s30  }
.LBB2_1:
0xb: {  	[dreg:$0x7] =	wrdreg s4  }
0xc: {  	s0 =	rddreg [dreg:$0x4];
	s26 =	simm.s32 $0x1  }
0xd: {  	[tilespmem:s2], [sflag:$0x1] =	stream.linear.gather [hbm4b:s0+s2], $0x200, $0x38;
	[tilespmem:$0x10200] =	vst v63  }
0xe: {  	_ =	swait.ge [sflag:s26], $0x200  }
0xf: {  	[sflag:s26] =	ssyncset.done $0x0  }
0x10: {  	s19 =	simm.s32 $0x10;
	[sflag:s26] =	ssyncadd.s32 $0xFFFFFE00  }
0x11: {  	v0 =	vld [tilespmem:s19+$0xFFFFFFF0];
	_ =	sdelay $0x4  }
0x12: {  	v0 =	vshll.u32 v0, $0x4  }
0x13: {  	(v2sf) =	vpush v0, $0x0  }
0x14: {  	(v2sf) =	vpush v0, $0x1  }
0x15: {  	(v2sf) =	vpush v0, $0x2;
	_ =	sdelay $0x1  }
0x16: {  	(v2sf) =	vpush v0, $0x3  }
0x17: {  	(v2sf) =	vpush v0, $0x4;
	_ =	sdelay $0x1  }
0x18: {  	(v2sf) =	vpush v0, $0x5;
	_ =	sdelay $0x3  }
0x19: {  	(v2sf) =	vpush v0, $0x6;
	_ =	sdelay $0x1  }
0x1a: {  	s12 =	simm.s32 $0xA00;
	s28 =	simm.s32 $0x380  }
0x1b: {  	s1 =	simm.s32 $0x280;
	s29 =	simm.s32 $0x300;
	s6 =	simm.s32 $0x200  }
0x1c: {  	s15 =	simm.s32 $0x400;
	s18 =	simm.s32 $0x480;
	s5 =	spop (v2sf);
	(v2sf) =	vpush v0, $0x7  }
0x1d: {  	s22 =	simm.s32 $0x500;
	s5 =	sand.u32 $0x1FFFFFF0, s5;
	s9 =	spop (v2sf)  }
0x1e: {  	s25 =	simm.s32 $0x580;
	(v2sf) =	vpush v0, $0x8;
	s5 =	sadd.s32 s3, s5;
	s14 =	spop (v2sf)  }
0x1f: {  	[tilespmem:s6], [sflag:$0x2] =	stream.linear.gather [hbm4b:s5+s2], $0x80, $0x38;
	[tilespmem:$0x10200] =	vst v63  }
0x20: {  	s9 =	sand.u32 $0x1FFFFFF0, s9;
	s31 =	sand.u32 $0x1FFFFFF0, s14;
	s7 =	spop (v2sf)  }
0x21: {  	(v2sf) =	vpush v0, $0x9;
	s30 =	sadd.s32 s3, s9;
	s8 =	sadd.s32 s3, s31;
	s10 =	spop (v2sf)  }
0x22: {  	[tilespmem:s1], [sflag:$0x2] =	stream.linear.gather [hbm4b:s30+s2], $0x80, $0x38;
	[tilespmem:$0x10200] =	vst v63  }
0x23: {  	s9 =	sand.u32 $0x1FFFFFF0, s7;
	s13 =	sand.u32 $0x1FFFFFF0, s10;
	s14 =	spop (v2sf);
	(v2sf) =	vpush v0, $0xA  }
0x24: {  	[tilespmem:s29], [sflag:$0x2] =	stream.linear.gather [hbm4b:s8+s2], $0x80, $0x38;
	[tilespmem:$0x10200] =	vst v63  }
0x25: {  	s11 =	sadd.s32 s3, s9;
	s16 =	sadd.s32 s3, s13;
	s17 =	sand.u32 $0x1FFFFFF0, s14  }
0x26: {  	[tilespmem:s28], [sflag:$0x2] =	stream.linear.gather [hbm4b:s11+s2], $0x80, $0x38;
	[tilespmem:$0x10200] =	vst v63  }
0x27: {  	s14 =	simm.s32 $0x30;
	s21 =	spop (v2sf);
	s20 =	sadd.s32 s3, s17  }
0x28: {  	[tilespmem:s15], [sflag:$0x2] =	stream.linear.gather [hbm4b:s16+s2], $0x80, $0x38;
	[tilespmem:$0x10200] =	vst v63  }
0x29: {  	s17 =	simm.s32 $0x780;
	s0 =	sand.u32 $0x1FFFFFF0, s21;
	s29 =	simm.s32 $0x600  }
0x2a: {  	[tilespmem:s18], [sflag:$0x2] =	stream.linear.gather [hbm4b:s20+s2], $0x80, $0x38;
	[tilespmem:$0x10200] =	vst v63  }
0x2b: {  	s0 =	sadd.s32 s3, s0;
	s15 =	simm.s32 $0x880;
	s23 =	spop (v2sf)  }
0x2c: {  	[tilespmem:s22], [sflag:$0x2] =	stream.linear.gather [hbm4b:s0+s2], $0x80, $0x38;
	[tilespmem:$0x10200] =	vst v63  }
0x2d: {  	s16 =	simm.s32 $0x0;
	s4 =	sand.u32 $0x1FFFFFF0, s23;
	s24 =	spop (v2sf)  }
0x2e: {  	(v2sf) =	vpush v0, $0xB;
	s18 =	simm.s32 $0x800;
	s26 =	sadd.s32 s3, s4;
	s28 =	sand.u32 $0x1FFFFFF0, s24  }
0x2f: {  	(v2sf) =	vpush v0, $0xC;
	[tilespmem:s25], [sflag:$0x2] =	stream.linear.gather [hbm4b:s26+s2], $0x80, $0x38;
	[tilespmem:$0x10200] =	vst v63  }
0x30: {  	s22 =	simm.s32 $0x700;
	(v2sf) =	vpush v0, $0xD;
	s31 =	spop (v2sf);
	s30 =	sadd.s32 s3, s28  }
0x31: {  	(v2sf) =	vpush v0, $0xE;
	[tilespmem:s29], [sflag:$0x2] =	stream.linear.gather [hbm4b:s30+s2], $0x80, $0x38;
	[tilespmem:$0x10200] =	vst v63  }
0x32: {  	s24 =	simm.s32 $0x680;
	s1 =	sand.u32 $0x1FFFFFF0, s31;
	(v2sf) =	vpush v0, $0xF;
	s0 =	spop (v2sf)  }
.LBB2_2:
0x33: {  	_ =	sdelay $0x5  }
0x34: {  	s1 =	sadd.s32 s3, s1;
	s0 =	sand.u32 $0x1FFFFFF0, s0  }
0x35: {  	v0 =	vld [tilespmem:s14+$0xFFFFFFF0];
	[tilespmem:s24], [sflag:$0x2] =	stream.linear.gather [hbm4b:s1+s2], $0x80, $0x38  }
0x36: {  	s0 =	sadd.s32 s3, s0  }
0x37: {  	[tilespmem:s22], [sflag:$0x2] =	stream.linear.gather [hbm4b:s0+s2], $0x80, $0x38;
	[tilespmem:$0x10200] =	vst v63  }
0x38: {  	s5 =	smov.u32 s19;
	s4 =	spop (v2sf)  }
0x39: {  	s19 =	smov.u32 s14;
	s13 =	sand.u32 $0x1FFFFFF0, s4;
	s20 =	spop (v2sf)  }
0x3a: {  	s21 =	sadd.s32 s3, s13;
	s22 =	sand.u32 $0x1FFFFFF0, s20;
	s23 =	spop (v2sf)  }
0x3b: {  	v0 =	vshll.u32 v0, $0x4;
	[tilespmem:s17], [sflag:$0x2] =	stream.linear.gather [hbm4b:s21+s2], $0x80, $0x38;
	[tilespmem:$0x10200] =	vst v63  }
0x3c: {  	(v2sf) =	vpush v0, $0x0;
	s24 =	sadd.s32 s3, s22;
	s25 =	sand.u32 $0x1FFFFFF0, s23;
	s26 =	spop (v2sf)  }
0x3d: {  	(v2sf) =	vpush v0, $0x1;
	[tilespmem:s18], [sflag:$0x2] =	stream.linear.gather [hbm4b:s24+s2], $0x80, $0x38;
	[tilespmem:$0x10200] =	vst v63  }
0x3e: {  	(v2sf) =	vpush v0, $0x2;
	s28 =	sadd.s32 s3, s25;
	s30 =	sand.u32 $0x1FFFFFF0, s26;
	s31 =	spop (v2sf)  }
0x3f: {  	[tilespmem:s15], [sflag:$0x2] =	stream.linear.gather [hbm4b:s28+s2], $0x80, $0x38;
	[tilespmem:$0x10200] =	vst v63  }
0x40: {  	s6 =	sadd.s32 $0xFFFFFF00, s12;
	(v2sf) =	vpush v0, $0x3;
	s1 =	sadd.s32 s3, s30;
	s4 =	sand.u32 $0x1FFFFFF0, s31  }
0x41: {  	[tilespmem:s6], [sflag:$0x2] =	stream.linear.gather [hbm4b:s1+s2], $0x80, $0x38;
	[tilespmem:$0x10200] =	vst v63  }
0x42: {  	s29 =	smov.u32 s12;
	s7 =	sadd.s32 $0xFFFFFF80, s12;
	(v2sf) =	vpush v0, $0x4;
	s8 =	sadd.s32 s3, s4  }
0x43: {  	[tilespmem:s7], [sflag:$0x2] =	stream.linear.gather [hbm4b:s8+s2], $0x80, $0x38;
	[tilespmem:$0x10200] =	vst v63  }
0x44: {  	s14 =	sadd.s32 $0x20, s14;
	s12 =	sadd.s32 $0x1000, s12;
	s16 =	sadd.s32 $0x2, s16;
	(v2sf) =	vpush v0, $0x5;
	v1 =	vld [tilespmem:s5+$0x0]  }
0x45: {  	s9 =	sadd.s32 $0x780, s29;
	s10 =	sadd.s32 $0xFFFFF800, s12;
	p0 =	slt.u32 s16, $0x1E  }
0x46: {  	[dreg:$0x3] =	wrdreg s9;
	s9 =	sadd.s32 $0x200, s29;
	s0 =	sadd.s32 $0x300, s29  }
0x47: {  	s20 =	sadd.s32 $0x700, s29;
	s23 =	sadd.s32 $0x600, s29;
	s21 =	sadd.s32 $0x680, s29  }
0x48: {  	s22 =	sadd.s32 $0xFFFFF980, s12;
	s17 =	sadd.s32 $0xFFFFFD80, s12;
	s26 =	sadd.s32 $0x500, s29  }
0x49: {  	s25 =	sadd.s32 $0x580, s29;
	s31 =	sadd.s32 $0x380, s29;
	s30 =	sadd.s32 $0x400, s29;
	v1 =	vshll.u32 v1, $0x4  }
0x4a: {  	s18 =	sadd.s32 $0xFFFFFE00, s12;
	s24 =	sadd.s32 $0xFFFFF880, s12;
	s4 =	sadd.s32 $0x180, s29;
	(v2sf) =	vpush v1, $0x0  }
0x4b: {  	s28 =	sadd.s32 $0x480, s29;
	s15 =	sadd.s32 $0xFFFFFE80, s12;
	s8 =	spop (v2sf);
	(v2sf) =	vpush v1, $0x1  }
0x4c: {  	s7 =	sadd.s32 $0xFFFFF900, s12;
	s8 =	sand.u32 $0x1FFFFFF0, s8;
	s11 =	spop (v2sf);
	(v2sf) =	vpush v1, $0x2  }
0x4d: {  	s8 =	sadd.s32 s3, s8;
	s11 =	sand.u32 $0x1FFFFFF0, s11;
	s13 =	spop (v2sf)  }
0x4e: {  	[tilespmem:s10], [sflag:$0x2] =	stream.linear.gather [hbm4b:s8+s2], $0x80, $0x38;
	(v2sf) =	vpush v1, $0x3;
	[tilespmem:$0x10200] =	vst v63  }
0x4f: {  	s10 =	sadd.s32 s3, s11;
	s11 =	sand.u32 $0x1FFFFFF0, s13;
	s13 =	spop (v2sf)  }
0x50: {  	[tilespmem:s24], [sflag:$0x2] =	stream.linear.gather [hbm4b:s10+s2], $0x80, $0x38;
	(v2sf) =	vpush v1, $0x4;
	[tilespmem:$0x10200] =	vst v63  }
0x51: {  	s13 =	sand.u32 $0x1FFFFFF0, s13;
	s10 =	sadd.s32 s3, s11;
	s24 =	spop (v2sf)  }
0x52: {  	(v2sf) =	vpush v1, $0x5;
	[tilespmem:s7], [sflag:$0x2] =	stream.linear.gather [hbm4b:s10+s2], $0x80, $0x38;
	[tilespmem:$0x10200] =	vst v63  }
0x53: {  	s10 =	sadd.s32 s3, s13;
	s13 =	sand.u32 $0x1FFFFFF0, s24;
	s24 =	spop (v2sf)  }
0x54: {  	(v2sf) =	vpush v1, $0x6;
	[tilespmem:s22], [sflag:$0x2] =	stream.linear.gather [hbm4b:s10+s2], $0x80, $0x38;
	[tilespmem:$0x10200] =	vst v63  }
0x55: {  	s11 =	sadd.s32 $0xFFFFFA00, s12;
	s8 =	sadd.s32 s3, s13;
	s10 =	sand.u32 $0x1FFFFFF0, s24  }
0x56: {  	(v2sf) =	vpush v1, $0x7;
	[tilespmem:s11], [sflag:$0x2] =	stream.linear.gather [hbm4b:s8+s2], $0x80, $0x38;
	[tilespmem:$0x10200] =	vst v63  }
0x57: {  	s1 =	sadd.s32 $0x280, s29;
	s13 =	sadd.s32 $0xFFFFFA80, s12;
	s24 =	sadd.s32 s3, s10  }
0x58: {  	(v2sf) =	vpush v1, $0x8;
	[tilespmem:s13], [sflag:$0x2] =	stream.linear.gather [hbm4b:s24+s2], $0x80, $0x38;
	[tilespmem:$0x10200] =	vst v63  }
0x59: {  	s6 =	sadd.s32 $0x80, s29;
	s5 =	sadd.s32 $0x100, s29;
	s10 =	spop (v2sf)  }
0x5a: {  	s22 =	sadd.s32 $0xFFFFFD00, s12;
	s7 =	sand.u32 $0x1FFFFFF0, s10;
	s11 =	spop (v2sf);
	(v2sf) =	vpush v1, $0x9  }
0x5b: {  	s7 =	sadd.s32 s3, s7;
	s8 =	sand.u32 $0x1FFFFFF0, s11;
	s13 =	spop (v2sf)  }
0x5c: {  	(v2sf) =	vpush v1, $0xA;
	[tilespmem:s29], [sflag:$0x2] =	stream.linear.gather [hbm4b:s7+s2], $0x80, $0x38;
	[tilespmem:$0x10200] =	vst v63  }
0x5d: {  	s11 =	sadd.s32 s3, s8;
	s13 =	sand.u32 $0x1FFFFFF0, s13;
	s29 =	spop (v2sf)  }
0x5e: {  	(v2sf) =	vpush v1, $0xB;
	[tilespmem:s6], [sflag:$0x2] =	stream.linear.gather [hbm4b:s11+s2], $0x80, $0x38;
	[tilespmem:$0x10200] =	vst v63  }
0x5f: {  	s11 =	sadd.s32 s3, s13;
	s13 =	sand.u32 $0x1FFFFFF0, s29;
	s29 =	spop (v2sf)  }
0x60: {  	(v2sf) =	vpush v1, $0xC;
	[tilespmem:s5], [sflag:$0x2] =	stream.linear.gather [hbm4b:s11+s2], $0x80, $0x38;
	[tilespmem:$0x10200] =	vst v63  }
0x61: {  	s7 =	sadd.s32 s3, s13;
	s8 =	sand.u32 $0x1FFFFFF0, s29;
	s10 =	spop (v2sf)  }
0x62: {  	(v2sf) =	vpush v1, $0xD;
	[tilespmem:s4], [sflag:$0x2] =	stream.linear.gather [hbm4b:s7+s2], $0x80, $0x38;
	[tilespmem:$0x10200] =	vst v63  }
0x63: {  	s11 =	sadd.s32 s3, s8;
	s13 =	sand.u32 $0x1FFFFFF0, s10;
	s29 =	spop (v2sf)  }
0x64: {  	(v2sf) =	vpush v1, $0xE;
	[tilespmem:s9], [sflag:$0x2] =	stream.linear.gather [hbm4b:s11+s2], $0x80, $0x38;
	[tilespmem:$0x10200] =	vst v63  }
0x65: {  	s5 =	sadd.s32 s3, s13;
	s6 =	sand.u32 $0x1FFFFFF0, s29;
	s7 =	spop (v2sf)  }
0x66: {  	[tilespmem:s1], [sflag:$0x2] =	stream.linear.gather [hbm4b:s5+s2], $0x80, $0x38;
	[tilespmem:$0x10200] =	vst v63  }
0x67: {  	s8 =	sadd.s32 s3, s6;
	s10 =	spop (v2sf);
	s9 =	sand.u32 $0x1FFFFFF0, s7  }
0x68: {  	(v2sf) =	vpush v1, $0xF;
	[tilespmem:s0], [sflag:$0x2] =	stream.linear.gather [hbm4b:s8+s2], $0x80, $0x38;
	[tilespmem:$0x10200] =	vst v63  }
0x69: {  	s13 =	sand.u32 $0x1FFFFFF0, s10;
	s11 =	sadd.s32 s3, s9;
	s29 =	spop (v2sf)  }
0x6a: {  	(v2sf) =	vpush v0, $0x6;
	[tilespmem:s31], [sflag:$0x2] =	stream.linear.gather [hbm4b:s11+s2], $0x80, $0x38;
	[tilespmem:$0x10200] =	vst v63  }
0x6b: {  	s5 =	sadd.s32 s3, s13;
	s6 =	sand.u32 $0x1FFFFFF0, s29;
	s7 =	spop (v2sf)  }
0x6c: {  	[tilespmem:s30], [sflag:$0x2] =	stream.linear.gather [hbm4b:s5+s2], $0x80, $0x38;
	[tilespmem:$0x10200] =	vst v63  }
0x6d: {  	(v2sf) =	vpush v0, $0x7;
	s8 =	sadd.s32 s3, s6;
	s9 =	sand.u32 $0x1FFFFFF0, s7;
	s10 =	spop (v2sf)  }
0x6e: {  	[tilespmem:s28], [sflag:$0x2] =	stream.linear.gather [hbm4b:s8+s2], $0x80, $0x38;
	[tilespmem:$0x10200] =	vst v63  }
0x6f: {  	(v2sf) =	vpush v0, $0x8;
	s11 =	sadd.s32 s3, s9;
	s13 =	sand.u32 $0x1FFFFFF0, s10;
	s28 =	spop (v2sf)  }
0x70: {  	(v2sf) =	vpush v0, $0x9;
	[tilespmem:s26], [sflag:$0x2] =	stream.linear.gather [hbm4b:s11+s2], $0x80, $0x38;
	[tilespmem:$0x10200] =	vst v63  }
0x71: {  	s29 =	sadd.s32 s3, s13;
	s30 =	sand.u32 $0x1FFFFFF0, s28;
	s31 =	spop (v2sf)  }
0x72: {  	(v2sf) =	vpush v0, $0xA;
	[tilespmem:s25], [sflag:$0x2] =	stream.linear.gather [hbm4b:s29+s2], $0x80, $0x38;
	[tilespmem:$0x10200] =	vst v63  }
0x73: {  	s1 =	sadd.s32 s3, s30;
	s5 =	sand.u32 $0x1FFFFFF0, s31;
	s6 =	spop (v2sf)  }
0x74: {  	[tilespmem:s23], [sflag:$0x2] =	stream.linear.gather [hbm4b:s1+s2], $0x80, $0x38;
	[tilespmem:$0x10200] =	vst v63  }
0x75: {  	s24 =	sadd.s32 $0xFFFFFC80, s12;
	s7 =	sadd.s32 s3, s5;
	s8 =	sand.u32 $0x1FFFFFF0, s6  }
0x76: {  	[tilespmem:s21], [sflag:$0x2] =	stream.linear.gather [hbm4b:s7+s2], $0x80, $0x38;
	[tilespmem:$0x10200] =	vst v63  }
0x77: {  	s10 =	sadd.s32 $0xFFFFFC00, s12;
	s9 =	spop (v2sf);
	s11 =	sadd.s32 s3, s8  }
0x78: {  	[tilespmem:s20], [sflag:$0x2] =	stream.linear.gather [hbm4b:s11+s2], $0x80, $0x38;
	[tilespmem:$0x10200] =	vst v63  }
0x79: {  	s13 =	sand.u32 $0x1FFFFFF0, s9;
	s25 =	sadd.s32 $0xFFFFFB00, s12;
	s21 =	spop (v2sf)  }
0x7a: {  	s1 =	sadd.s32 s3, s13;
	s23 =	rddreg [dreg:$0x3];
	s4 =	sand.u32 $0x1FFFFFF0, s21  }
0x7b: {  	[tilespmem:s23], [sflag:$0x2] =	stream.linear.gather [hbm4b:s1+s2], $0x80, $0x38;
	[tilespmem:$0x10200] =	vst v63  }
0x7c: {  	s20 =	sadd.s32 $0xFFFFFB80, s12;
	s26 =	spop (v2sf);
	s4 =	sadd.s32 s3, s4  }
0x7d: {  	[tilespmem:s25], [sflag:$0x2] =	stream.linear.gather [hbm4b:s4+s2], $0x80, $0x38;
	[tilespmem:$0x10200] =	vst v63  }
.Ltmp0:
0x7e: {  	(v2sf) =	vpush v0, $0xB;
	s6 =	sand.u32 $0x1FFFFFF0, s26;
	s28 =	spop (v2sf);
	(pc) =	sbr.rel @p0 .LBB2_2-.Ltmp0, $4  }
0x7f: {  	(v2sf) =	vpush v0, $0xC;
	s29 =	sadd.s32 s3, s6;
	s30 =	sand.u32 $0x1FFFFFF0, s28;
	s31 =	spop (v2sf)  }
0x80: {  	(v2sf) =	vpush v0, $0xD;
	[tilespmem:s20], [sflag:$0x2] =	stream.linear.gather [hbm4b:s29+s2], $0x80, $0x38;
	[tilespmem:$0x10200] =	vst v63  }
0x81: {  	(v2sf) =	vpush v0, $0xE;
	s4 =	sadd.s32 s3, s30;
	s1 =	sand.u32 $0x1FFFFFF0, s31;
	s0 =	spop (v2sf)  }
0x82: {  	(v2sf) =	vpush v0, $0xF;
	[tilespmem:s10], [sflag:$0x2] =	stream.linear.gather [hbm4b:s4+s2], $0x80, $0x38;
	[tilespmem:$0x10200] =	vst v63  }
0x83: {  	_ =	sdelay $0x5  }
0x84: {  	s1 =	sadd.s32 s3, s1;
	s0 =	sand.u32 $0x1FFFFFF0, s0  }
0x85: {  	[tilespmem:s24], [sflag:$0x2] =	stream.linear.gather [hbm4b:s1+s2], $0x80, $0x38;
	[tilespmem:$0x10200] =	vst v63  }
0x86: {  	s0 =	sadd.s32 s3, s0  }
0x87: {  	[tilespmem:s22], [sflag:$0x2] =	stream.linear.gather [hbm4b:s0+s2], $0x80, $0x38;
	[tilespmem:$0x10200] =	vst v63  }
0x88: {  	s13 =	spop (v2sf)  }
0x89: {  	s0 =	sand.u32 $0x1FFFFFF0, s13  }
0x8a: {  	s14 =	spop (v2sf);
	s0 =	sadd.s32 s3, s0  }
0x8b: {  	[tilespmem:s17], [sflag:$0x2] =	stream.linear.gather [hbm4b:s0+s2], $0x80, $0x38;
	[tilespmem:$0x10200] =	vst v63  }
0x8c: {  	s0 =	sand.u32 $0x1FFFFFF0, s14  }
0x8d: {  	s16 =	spop (v2sf);
	s0 =	sadd.s32 s3, s0  }
0x8e: {  	[tilespmem:s18], [sflag:$0x2] =	stream.linear.gather [hbm4b:s0+s2], $0x80, $0x38;
	[tilespmem:$0x10200] =	vst v63  }
0x8f: {  	s0 =	sand.u32 $0x1FFFFFF0, s16  }
0x90: {  	s17 =	spop (v2sf);
	s0 =	sadd.s32 s3, s0  }
0x91: {  	[tilespmem:s15], [sflag:$0x2] =	stream.linear.gather [hbm4b:s0+s2], $0x80, $0x38;
	[tilespmem:$0x10200] =	vst v63  }
0x92: {  	s0 =	sand.u32 $0x1FFFFFF0, s17  }
0x93: {  	s20 =	spop (v2sf);
	s18 =	sadd.s32 $0xFFFFFF00, s12;
	s0 =	sadd.s32 s3, s0  }
0x94: {  	[tilespmem:s18], [sflag:$0x2] =	stream.linear.gather [hbm4b:s0+s2], $0x80, $0x38;
	[tilespmem:$0x10200] =	vst v63  }
0x95: {  	s0 =	sand.u32 $0x1FFFFFF0, s20  }
0x96: {  	s21 =	sadd.s32 $0xFFFFFF80, s12;
	s0 =	sadd.s32 s3, s0  }
0x97: {  	[tilespmem:s21], [sflag:$0x2] =	stream.linear.gather [hbm4b:s0+s2], $0x80, $0x38;
	[tilespmem:$0x10200] =	vst v63  }
0x98: {  	v0 =	vld [tilespmem:s19+$0x0];
	_ =	sdelay $0x4  }
0x99: {  	v0 =	vshll.u32 v0, $0x4  }
0x9a: {  	(v2sf) =	vpush v0, $0x0;
	_ =	sdelay $0x1  }
0x9b: {  	(v2sf) =	vpush v0, $0x1;
	_ =	sdelay $0x1  }
0x9c: {  	(v2sf) =	vpush v0, $0x2;
	_ =	sdelay $0x3  }
0x9d: {  	(v2sf) =	vpush v0, $0x3;
	_ =	sdelay $0x4  }
0x9e: {  	(v2sf) =	vpush v0, $0x4;
	_ =	sdelay $0x1  }
0x9f: {  	s22 =	spop (v2sf);
	(v2sf) =	vpush v0, $0x5;
	_ =	sdelay $0x1  }
0xa0: {  	s23 =	spop (v2sf);
	(v2sf) =	vpush v0, $0x6;
	_ =	sdelay $0x1  }
0xa1: {  	s25 =	spop (v2sf);
	(v2sf) =	vpush v0, $0x7  }
0xa2: {  	s0 =	sand.u32 $0x1FFFFFF0, s22  }
0xa3: {  	s24 =	sadd.s32 $0x80, s12;
	s0 =	sadd.s32 s3, s0;
	s1 =	sand.u32 $0x1FFFFFF0, s23  }
0xa4: {  	[tilespmem:s12], [sflag:$0x2] =	stream.linear.gather [hbm4b:s0+s2], $0x80, $0x38;
	[tilespmem:$0x10200] =	vst v63  }
0xa5: {  	s1 =	sadd.s32 s3, s1;
	s0 =	sand.u32 $0x1FFFFFF0, s25;
	s28 =	spop (v2sf)  }
0xa6: {  	(v2sf) =	vpush v0, $0x8;
	[tilespmem:s24], [sflag:$0x2] =	stream.linear.gather [hbm4b:s1+s2], $0x80, $0x38;
	[tilespmem:$0x10200] =	vst v63  }
0xa7: {  	s26 =	sadd.s32 $0x100, s12;
	s0 =	sadd.s32 s3, s0  }
0xa8: {  	[tilespmem:s26], [sflag:$0x2] =	stream.linear.gather [hbm4b:s0+s2], $0x80, $0x38;
	[tilespmem:$0x10200] =	vst v63  }
0xa9: {  	s0 =	sand.u32 $0x1FFFFFF0, s28  }
0xaa: {  	s29 =	sadd.s32 $0x180, s12;
	s30 =	spop (v2sf);
	s0 =	sadd.s32 s3, s0  }
0xab: {  	[tilespmem:s29], [sflag:$0x2] =	stream.linear.gather [hbm4b:s0+s2], $0x80, $0x38;
	[tilespmem:$0x10200] =	vst v63  }
0xac: {  	s1 =	spop (v2sf);
	(v2sf) =	vpush v0, $0x9  }
0xad: {  	s0 =	sand.u32 $0x1FFFFFF0, s30  }
0xae: {  	s31 =	sadd.s32 $0x200, s12;
	s0 =	sadd.s32 s3, s0;
	s5 =	spop (v2sf);
	(v2sf) =	vpush v0, $0xA  }
0xaf: {  	[tilespmem:s31], [sflag:$0x2] =	stream.linear.gather [hbm4b:s0+s2], $0x80, $0x38;
	[tilespmem:$0x10200] =	vst v63  }
0xb0: {  	s7 =	spop (v2sf);
	(v2sf) =	vpush v0, $0xB  }
0xb1: {  	s0 =	sand.u32 $0x1FFFFFF0, s1  }
0xb2: {  	s4 =	sadd.s32 $0x280, s12;
	s0 =	sadd.s32 s3, s0  }
0xb3: {  	[tilespmem:s4], [sflag:$0x2] =	stream.linear.gather [hbm4b:s0+s2], $0x80, $0x38;
	[tilespmem:$0x10200] =	vst v63  }
0xb4: {  	s0 =	sand.u32 $0x1FFFFFF0, s5  }
0xb5: {  	s6 =	sadd.s32 $0x300, s12;
	s9 =	spop (v2sf);
	s0 =	sadd.s32 s3, s0  }
0xb6: {  	(v2sf) =	vpush v0, $0xC;
	[tilespmem:s6], [sflag:$0x2] =	stream.linear.gather [hbm4b:s0+s2], $0x80, $0x38;
	[tilespmem:$0x10200] =	vst v63  }
0xb7: {  	s0 =	sand.u32 $0x1FFFFFF0, s7  }
0xb8: {  	s8 =	sadd.s32 $0x380, s12;
	s0 =	sadd.s32 s3, s0  }
0xb9: {  	[tilespmem:s8], [sflag:$0x2] =	stream.linear.gather [hbm4b:s0+s2], $0x80, $0x38;
	[tilespmem:$0x10200] =	vst v63  }
0xba: {  	s0 =	sand.u32 $0x1FFFFFF0, s9  }
0xbb: {  	s10 =	sadd.s32 $0x400, s12;
	s0 =	sadd.s32 s3, s0;
	s11 =	spop (v2sf);
	(v2sf) =	vpush v0, $0xD  }
0xbc: {  	[tilespmem:s10], [sflag:$0x2] =	stream.linear.gather [hbm4b:s0+s2], $0x80, $0x38;
	[tilespmem:$0x10200] =	vst v63  }
0xbd: {  	s14 =	spop (v2sf);
	(v2sf) =	vpush v0, $0xE  }
0xbe: {  	s0 =	sand.u32 $0x1FFFFFF0, s11  }
0xbf: {  	s13 =	sadd.s32 $0x480, s12;
	s0 =	sadd.s32 s3, s0;
	s16 =	spop (v2sf)  }
0xc0: {  	(v2sf) =	vpush v0, $0xF;
	[tilespmem:s13], [sflag:$0x2] =	stream.linear.gather [hbm4b:s0+s2], $0x80, $0x38;
	[tilespmem:$0x10200] =	vst v63  }
0xc1: {  	s0 =	sand.u32 $0x1FFFFFF0, s14  }
0xc2: {  	s15 =	sadd.s32 $0x500, s12;
	s0 =	sadd.s32 s3, s0  }
0xc3: {  	[tilespmem:s15], [sflag:$0x2] =	stream.linear.gather [hbm4b:s0+s2], $0x80, $0x38;
	[tilespmem:$0x10200] =	vst v63  }
0xc4: {  	s0 =	sand.u32 $0x1FFFFFF0, s16  }
0xc5: {  	s17 =	sadd.s32 $0x580, s12;
	s18 =	spop (v2sf);
	s0 =	sadd.s32 s3, s0  }
0xc6: {  	[tilespmem:s17], [sflag:$0x2] =	stream.linear.gather [hbm4b:s0+s2], $0x80, $0x38;
	[tilespmem:$0x10200] =	vst v63  }
0xc7: {  	s0 =	sand.u32 $0x1FFFFFF0, s18  }
0xc8: {  	s19 =	sadd.s32 $0x600, s12;
	s0 =	sadd.s32 s3, s0  }
0xc9: {  	[tilespmem:s19], [sflag:$0x2] =	stream.linear.gather [hbm4b:s0+s2], $0x80, $0x38;
	[tilespmem:$0x10200] =	vst v63  }
0xca: {  	s20 =	spop (v2sf)  }
0xcb: {  	s0 =	sand.u32 $0x1FFFFFF0, s20  }
0xcc: {  	s21 =	sadd.s32 $0x680, s12;
	s22 =	spop (v2sf);
	s0 =	sadd.s32 s3, s0  }
0xcd: {  	[tilespmem:s21], [sflag:$0x2] =	stream.linear.gather [hbm4b:s0+s2], $0x80, $0x38;
	[tilespmem:$0x10200] =	vst v63  }
0xce: {  	s0 =	sand.u32 $0x1FFFFFF0, s22  }
0xcf: {  	s23 =	sadd.s32 $0x700, s12;
	s24 =	spop (v2sf);
	s0 =	sadd.s32 s3, s0  }
0xd0: {  	[tilespmem:s23], [sflag:$0x2] =	stream.linear.gather [hbm4b:s0+s2], $0x80, $0x38;
	[tilespmem:$0x10200] =	vst v63  }
0xd1: {  	s0 =	sand.u32 $0x1FFFFFF0, s24  }
0xd2: {  	s25 =	sadd.s32 $0x780, s12;
	s26 =	simm.s32 $0x2;
	s0 =	sadd.s32 s3, s0  }
0xd3: {  	[tilespmem:s25], [sflag:$0x2] =	stream.linear.gather [hbm4b:s0+s2], $0x80, $0x38;
	[tilespmem:$0x10200] =	vst v63  }
0xd4: {  	_ =	swait.ge [sflag:s26], $0x10000  }
0xd5: {  	s29 =	simm.s32 $0x200;
	[sflag:s26] =	ssyncset.done $0x0  }
0xd6: {  	s30 =	simm.s32 $0x3;
	s28 =	rddreg [dreg:$0x5];
	[sflag:s26] =	ssyncadd.s32 $0xFFFF0000  }
0xd7: {  	[hbm4b:s28+s2] =	stream.linear.scatter [tilespmem:s29], [sflag:$0x3], $0x10000, $0x38;
	[tilespmem:$0x10200] =	vst v63  }
0xd8: {  	_ =	swait.ge [sflag:s30], $0x10000  }
0xd9: {  	s4 =	rddreg [dreg:$0x7]  }
0xda: {  	s31 =	rddreg [dreg:$0x6];
	s4 =	sadd.s32 $0x1, s4  }
0xdb: {  	p0 =	sne.s32 s4, s31  }
.Ltmp1:
0xdc: {  	_ = 	snop;
	(pc) =	sbr.rel @p0 .LBB2_1-.Ltmp1, $3  }
0xdd: {  	_ =	sdelay $0x1  }
0xde: {  	[sflag:s30] =	ssyncset.done $0x0  }
0xdf: {  	[sflag:s30] =	ssyncadd.s32 $0xFFFF0000  }
0xe0: {  	_ =	sfence.sel $0x180000  }
0xe1: {  	[bflag:$0x0] =	sbarrier.arrive $0xFFFF  }
0xe2: {  	_ =	strace $0x90000047  }
0xe3: {  	s0 =	stileid.u32;
	[bflag:$0x2] =	sbarrier.arrive $0xFFFF  }
0xe4: {  	p0 =	sne.s32 s0, $0x0;
	s0 =	rddreg [dreg:$0x2]  }
0xe5: {  	s0 =	sadd.s32 @!p0 $0x100000, s0  }
0xe6: {  	[sflag:s0] =	ssyncadd.tile.s32 @!p0 $0x1;
	_ =	shalt  }
.Lfunc_end2:
_tile_overlayer_lowered:
.L_overlay_start_2:
0xe7: {  	(tag) =	ssettag $0x2  }
0xe8: {  	s0 =	rddreg [dreg:$0x0];
	s2 =	stileid.u32  }
0xe9: {  	s1 =	rddreg [dreg:$0x1];
	p0 =	sne.s32 s2, $0x0  }
0xea: {  	s3 =	rddreg [dreg:$0x2];
	[bflag:$0x3] =	sbarrier.arrive $0xFFFF;
	s2 =	simm.s32 @!p0 $0x1C03  }
0xeb: {  	[timem:s3], [sflag:s2] =	dma.local @!p0 [hbm:s0], s1  }
0xec: {  	s0 =	simm.s32 @!p0 $0x3  }
0xed: {  	_ =	swait.ge @!p0 [sflag:s0], s1  }
0xee: {  	s1 =	ssub.s32 @!p0 $0x0, s1;
	[sflag:s0] =	ssyncset.done @!p0 $0x0  }
0xef: {  	[sflag:s0] =	ssyncadd.s32 @!p0 s1  }
0xf0: {  	[bflag:$0x3] =	sbarrier.arrive $0xFFFF  }
0xf1: {  	_ =	shalt  }

</sc_bundles>
